<compile_context>
chip_gen: v7x
topology: tpu7x:2x2x1
jax: 0.10.2.dev20260603
libtpu: 0.0.44.dev20260713+nightly
codegen_flags: <defaults>
</compile_context>

<pallas_src>
import functools

import jax
import jax.numpy as jnp
from jax import lax
from jax.experimental import pallas as pl
from jax.experimental.pallas import tpu as pltpu
from jax.experimental.pallas import tpu_sc as plsc

N_NODES = 10000
N_EDGES = 320000
IN_DIMS = 128
OUT_DIMS = 64
EPS = 1e-5

D = OUT_DIMS
NTILES = 16
EPT = N_EDGES // NTILES
NSEG = 5
SEG_E = EPT // NSEG
GRP_E = 800
GPS = SEG_E // GRP_E
VPG = GRP_E // 16
ROWS_PT = 632
ROWS = ROWS_PT * NTILES


def _pre_body(x_ref, wl_ref, yp_ref, yn_ref):
    xw = jnp.dot(x_ref[...], wl_ref[...], preferred_element_type=jnp.float32)
    yp_ref[...] = xw[:, :OUT_DIMS]
    yn_ref[...] = xw[:, OUT_DIMS:]


def _pre(x, wl_cat):
    return pl.pallas_call(
        _pre_body,
        out_shape=[
            jax.ShapeDtypeStruct((N_NODES, D), jnp.float32),
            jax.ShapeDtypeStruct((N_NODES, D), jnp.float32),
        ],
        grid=(5,),
        in_specs=[
            pl.BlockSpec((N_NODES // 5, IN_DIMS), lambda i: (i, 0)),
            pl.BlockSpec((IN_DIMS, 2 * OUT_DIMS), lambda i: (0, 0)),
        ],
        out_specs=[
            pl.BlockSpec((N_NODES // 5, D), lambda i: (i, 0)),
            pl.BlockSpec((N_NODES // 5, D), lambda i: (i, 0)),
        ],
    )(x, wl_cat)


def _sc_body(yp, yn, pe, ne, zeros_hbm, outp, outn, histp, histn,
             src_v, dst_v, buf, hist, acc, sem):
    c = lax.axis_index("c")
    s = lax.axis_index("s")

    pltpu.sync_copy(zeros_hbm.at[pl.ds(s * ROWS_PT, ROWS_PT)],
                    acc.at[pl.ds(s * ROWS_PT, ROWS_PT)])

    zero16 = jnp.zeros((16,), jnp.float32)

    def zbody(i, carry):
        hist[pl.ds(i * 16, 16)] = zero16
        return carry

    lax.fori_loop(0, ROWS // 16, zbody, 0)
    ones16 = jnp.ones((16,), jnp.float32)
    plsc.subcore_barrier()

    def run(y_h, e_h, out_h, hist_h):
        def seg_body(k, carry):
            off = s * EPT + k * SEG_E
            pltpu.sync_copy(e_h.at[0, pl.ds(off, SEG_E)], src_v)
            pltpu.sync_copy(e_h.at[1, pl.ds(off, SEG_E)], dst_v)

            def body(g, c2):
                gat = pltpu.async_copy(
                    y_h.at[src_v.at[pl.ds(g * GRP_E, GRP_E)]], buf, sem)

                def hbody(v, c3):
                    idx16 = dst_v[pl.ds(g * GRP_E + v * 16, 16)]
                    plsc.addupdate_scatter(hist, [idx16], ones16)
                    return c3

                lax.fori_loop(0, VPG, hbody, 0)

                gat.wait()
                pltpu.sync_copy(
                    buf, acc.at[dst_v.at[pl.ds(g * GRP_E, GRP_E)]], add=True)
                return c2

            lax.fori_loop(0, GPS, body, 0)
            return carry

        lax.fori_loop(0, NSEG, seg_body, 0)
        pltpu.sync_copy(hist, hist_h.at[s])
        plsc.subcore_barrier()
        pltpu.sync_copy(acc.at[pl.ds(s * ROWS_PT, ROWS_PT)],
                        out_h.at[pl.ds(s * ROWS_PT, ROWS_PT)])

    @pl.when(c == 0)
    def _():
        run(yp, pe, outp, histp)

    @pl.when(c == 1)
    def _():
        run(yn, ne, outn, histn)


_sc_agg = functools.partial(
    pl.kernel,
    _sc_body,
    out_type=[
        jax.ShapeDtypeStruct((ROWS, D), jnp.float32),
        jax.ShapeDtypeStruct((ROWS, D), jnp.float32),
        jax.ShapeDtypeStruct((NTILES, ROWS), jnp.float32),
        jax.ShapeDtypeStruct((NTILES, ROWS), jnp.float32),
    ],
    mesh=plsc.VectorSubcoreMesh(core_axis_name="c", subcore_axis_name="s"),
    compiler_params=pltpu.CompilerParams(use_tc_tiling_on_sc=False,
                                         needs_layout_passes=False),
    scratch_types=[
        pltpu.VMEM((SEG_E,), jnp.int32),
        pltpu.VMEM((SEG_E,), jnp.int32),
        pltpu.VMEM((GRP_E, D), jnp.float32),
        pltpu.VMEM((ROWS,), jnp.float32),
        pltpu.VMEM_SHARED((ROWS, D), jnp.float32),
        pltpu.SemaphoreType.DMA,
    ],
)()


def _post_body(x_ref, sp_ref, sn_ref, hp_ref, hn_ref, wr_ref, b_ref, g_ref,
               be_ref, out_ref):
    xr = jnp.dot(x_ref[...], wr_ref[...], preferred_element_type=jnp.float32)
    ones_c = jnp.ones((NTILES, 1), jnp.float32)
    dn = (((0,), (0,)), ((), ()))
    cntp = lax.dot_general(hp_ref[...], ones_c, dn,
                           preferred_element_type=jnp.float32)
    cntn = lax.dot_general(hn_ref[...], ones_c, dn,
                           preferred_element_type=jnp.float32)
    aggp = sp_ref[...] / jnp.maximum(cntp[:N_NODES], 1.0)
    aggn = sn_ref[...] / jnp.maximum(cntn[:N_NODES], 1.0)
    pre = jnp.concatenate([aggp, aggn], axis=1) + xr + b_ref[...]
    mu = jnp.mean(pre, axis=0, keepdims=True)
    var = jnp.mean(jnp.square(pre - mu), axis=0, keepdims=True)
    out = (pre - mu) * lax.rsqrt(var + EPS) * g_ref[...] + be_ref[...]
    out_ref[...] = jnp.maximum(out, 0.0)


def _post(x, sp, sn, hp, hn, wr_cat, b_cat, g_cat, be_cat):
    return pl.pallas_call(
        _post_body,
        out_shape=jax.ShapeDtypeStruct((N_NODES, 2 * OUT_DIMS), jnp.float32),
    )(x, sp, sn, hp, hn, wr_cat, b_cat, g_cat, be_cat)


def kernel(x, pos_edge_index, neg_edge_index, W_pos_l, W_pos_r, b_pos,
           W_neg_l, W_neg_r, b_neg, gamma, beta):
    pe = pos_edge_index.astype(jnp.int32)
    ne = neg_edge_index.astype(jnp.int32)
    wl_cat = jnp.concatenate([W_pos_l, W_neg_l], axis=1)
    wr_cat = jnp.concatenate([W_pos_r, W_neg_r], axis=1)
    b_cat = jnp.concatenate([b_pos, b_neg]).reshape(1, 2 * OUT_DIMS)
    g_cat = gamma.reshape(1, 2 * OUT_DIMS)
    be_cat = beta.reshape(1, 2 * OUT_DIMS)
    zeros_hbm = jnp.zeros((ROWS, D), jnp.float32)

    yp, yn = _pre(x, wl_cat)
    sp_full, sn_full, hp, hn = _sc_agg(yp, yn, pe, ne, zeros_hbm)
    sp = sp_full[:N_NODES]
    sn = sn_full[:N_NODES]
    return _post(x, sp, sn, hp, hn, wr_cat, b_cat, g_cat, be_cat)

# --- scband reference (transcript-rebuilt; emitter-appended) ---
"""Pipeline reference for scband-signed-gcnblock-17540646437113 (READ-ONLY COPY).

The authoritative reference and input builder live on the scoring server;
editing this copy changes nothing except your own understanding.
"""

import jax, jax.numpy as jnp
import numpy as np

N_NODES = 10000
N_EDGES = 320000
IN_DIMS = 128
OUT_DIMS = 64
EPS = 1e-5


def _mean_aggregate(x, edge_index, num_nodes):
    # PyG flow 'source_to_target': row 0 = source (j), row 1 = target (i)
    src = edge_index[0]
    dst = edge_index[1]
    msgs = jnp.take(x, src, axis=0)
    summed = jax.ops.segment_sum(msgs, dst, num_segments=num_nodes)
    cnt = jax.ops.segment_sum(jnp.ones((src.shape[0],), dtype=x.dtype), dst, num_segments=num_nodes)
    cnt = jnp.clip(cnt, 1.0, None)
    return summed / cnt[:, None]


def setup_inputs(seed: int = 0) -> dict:
    key = jax.random.key(seed)
    ks = jax.random.split(key, 12)
    x = jax.random.normal(ks[0], (N_NODES, IN_DIMS), dtype=jnp.float32)
    pos_edge_index = jax.random.randint(ks[1], (2, N_EDGES), 0, N_NODES, dtype=jnp.int64)
    neg_edge_index = jax.random.randint(ks[2], (2, N_EDGES), 0, N_NODES, dtype=jnp.int64)
    scale = 1.0 / np.sqrt(IN_DIMS)
    W_pos_l = jax.random.normal(ks[3], (IN_DIMS, OUT_DIMS), dtype=jnp.float32) * scale
    W_pos_r = jax.random.normal(ks[4], (IN_DIMS, OUT_DIMS), dtype=jnp.float32) * scale
    b_pos = jnp.zeros((OUT_DIMS,), dtype=jnp.float32)
    W_neg_l = jax.random.normal(ks[5], (IN_DIMS, OUT_DIMS), dtype=jnp.float32) * scale
    W_neg_r = jax.random.normal(ks[6], (IN_DIMS, OUT_DIMS), dtype=jnp.float32) * scale
    b_neg = jnp.zeros((OUT_DIMS,), dtype=jnp.float32)
    gamma = jnp.ones((2 * OUT_DIMS,), dtype=jnp.float32)
    beta = jnp.zeros((2 * OUT_DIMS,), dtype=jnp.float32)
    return {
        'x': x,
        'pos_edge_index': pos_edge_index,
        'neg_edge_index': neg_edge_index,
        'W_pos_l': W_pos_l, 'W_pos_r': W_pos_r, 'b_pos': b_pos,
        'W_neg_l': W_neg_l, 'W_neg_r': W_neg_r, 'b_neg': b_neg,
        'gamma': gamma, 'beta': beta,
    }


def reference(x, pos_edge_index, neg_edge_index, W_pos_l, W_pos_r, b_pos, W_neg_l, W_neg_r, b_neg, gamma, beta):
    # SignedConv with first_aggr=True
    agg_pos = _mean_aggregate(x, pos_edge_index, N_NODES)
    out_pos = agg_pos @ W_pos_l + x @ W_pos_r + b_pos
    agg_neg = _mean_aggregate(x, neg_edge_index, N_NODES)
    out_neg = agg_neg @ W_neg_l + x @ W_neg_r + b_neg
    out = jnp.concatenate([out_pos, out_neg], axis=-1)
    # BatchNorm1d (training mode: batch statistics, biased variance)
    mu = jnp.mean(out, axis=0)
    var = jnp.mean((out - mu) ** 2, axis=0)
    out = (out - mu) / jnp.sqrt(var + EPS) * gamma + beta
    # ReLU
    out = jnp.maximum(out, 0.0)
    return out

if __name__ == "__main__":
    import jax
    _d = setup_inputs()
    print(jax.jit(kernel)(*tuple(_d.values())))

</pallas_src>

<mosaic_0001>
#map = affine_map<(d0, d1) -> (0, 0)>
module attributes {stable_mosaic.version = 14 : i64} {
  func.func @_sc_body(%arg0: i32, %arg1: i32, %arg2: memref<10000x64xf32, #tpu.memory_space<hbm>>, %arg3: memref<10000x64xf32, #tpu.memory_space<hbm>>, %arg4: memref<2x320000xi32, #tpu.memory_space<hbm>>, %arg5: memref<2x320000xi32, #tpu.memory_space<hbm>>, %arg6: memref<10112x64xf32, #tpu.memory_space<hbm>>, %arg7: memref<10112x64xf32, #tpu.memory_space<hbm>>, %arg8: memref<10112x64xf32, #tpu.memory_space<hbm>>, %arg9: memref<16x10112xf32, #tpu.memory_space<hbm>>, %arg10: memref<16x10112xf32, #tpu.memory_space<hbm>>, %arg11: memref<4000xi32, #tpu.memory_space<vmem>>, %arg12: memref<4000xi32, #tpu.memory_space<vmem>>, %arg13: memref<800x64xf32, #tpu.memory_space<vmem>>, %arg14: memref<10112xf32, #tpu.memory_space<vmem>>, %arg15: memref<10112x64xf32, #tpu.memory_space<vmem_shared>>, %arg16: memref<!tpu.dma_semaphore, #tpu.memory_space<semaphore_mem>>) attributes {dimension_semantics = [#tpu.dimension_semantics<core_parallel>, #tpu.dimension_semantics<subcore_parallel>], iteration_bounds = array<i64: 2, 16>, scalar_prefetch = 0 : i64, scratch_operands = 6 : i64, tpu.core_type = #tpu.core_type<sc_vector_subcore>, window_params = [{transform_indices = #map}, {transform_indices = #map}, {transform_indices = #map}, {transform_indices = #map}, {transform_indices = #map}, {transform_indices = #map}, {transform_indices = #map}, {transform_indices = #map}, {transform_indices = #map}]} {
    %mul3A = arith.constant 632 : i32
    %mul3A_0 = arith.muli %arg1, %mul3A : i32
    %mul3A_1 = arith.constant 632 : i32
    %mul3A_2 = arith.muli %arg1, %mul3A_1 : i32
    "tpu.region"() ({
      %run_scoped3A = tpu.sem_alloc : memref<!tpu.dma_semaphore, #tpu.memory_space<semaphore_mem>>
      %dma_start3A = arith.constant 0 : i32
      %dma_start3A_18 = tpu.memref_slice %arg15[%mul3A_2, %dma_start3A] : memref<10112x64xf32, #tpu.memory_space<vmem_shared>> -> memref<632x64xf32, #tpu.memory_space<vmem_shared>>
      %dma_start3A_19 = arith.constant 0 : i32
      %dma_start3A_20 = tpu.memref_slice %arg6[%mul3A_0, %dma_start3A_19] : memref<10112x64xf32, #tpu.memory_space<hbm>> -> memref<632x64xf32, #tpu.memory_space<hbm>>
      tpu.enqueue_dma source(%dma_start3A_20 : memref<632x64xf32, #tpu.memory_space<hbm>>) target(%dma_start3A_18 : memref<632x64xf32, #tpu.memory_space<vmem_shared>>) target_semaphore(%run_scoped3A : memref<!tpu.dma_semaphore, #tpu.memory_space<semaphore_mem>>)
      %dma_wait3A = arith.constant 0 : i32
      %dma_wait3A_21 = tpu.memref_slice %arg15[%mul3A_2, %dma_wait3A] : memref<10112x64xf32, #tpu.memory_space<vmem_shared>> -> memref<632x64xf32, #tpu.memory_space<vmem_shared>>
      %dma_wait3A_22 = arith.constant 0 : i32
      %dma_wait3A_23 = tpu.memref_slice %arg6[%mul3A_0, %dma_wait3A_22] : memref<10112x64xf32, #tpu.memory_space<hbm>> -> memref<632x64xf32, #tpu.memory_space<hbm>>
      tpu.wait_dma2 semaphore(%run_scoped3A : memref<!tpu.dma_semaphore, #tpu.memory_space<semaphore_mem>>) src(%dma_wait3A_23 : memref<632x64xf32, #tpu.memory_space<hbm>>) dst(%dma_wait3A_21 : memref<632x64xf32, #tpu.memory_space<vmem_shared>>)
      tpu.yield
    }) : () -> ()
    %broadcast_in_dim3A = arith.constant 0.000000e+00 : f32
    %broadcast_in_dim3A_3 = vector.broadcast %broadcast_in_dim3A : f32 to vector<16xf32>
    %scan3A = arith.constant 0 : i32
    %scan3A_4 = arith.constant 0 : i32
    %scan3A_5 = arith.constant 632 : i32
    %scan3A_6 = arith.addi %scan3A_4, %scan3A_5 : i32
    %scan3A_7 = arith.constant 1 : i32
    scf.for %scan3A_18 = %scan3A_4 to %scan3A_6 step %scan3A_7  : i32 {
      %mul3A_19 = arith.constant 16 : i32
      %mul3A_20 = arith.muli %scan3A_18, %mul3A_19 : i32
      %swap3A = arith.index_cast %mul3A_20 : i32 to index
      %swap3A_21 = tpu.vector_load %arg14[%swap3A] {strides = array<i32>} : memref<10112xf32, #tpu.memory_space<vmem>>, vector<16xf32>,
      tpu.vector_store %arg14[%swap3A], %broadcast_in_dim3A_3 {strides = array<i32>} : memref<10112xf32, #tpu.memory_space<vmem>>, vector<16xf32>,
    }
    %scan3A_8 = arith.constant 632 : i32
    %broadcast_in_dim3A_9 = arith.constant 1.000000e+00 : f32
    %broadcast_in_dim3A_10 = vector.broadcast %broadcast_in_dim3A_9 : f32 to vector<16xf32>
    %barrier3A = arith.constant 0 : index
    tpu.barrier barrier_id(%barrier3A)
    %eq3A = arith.constant 0 : i32
    %eq3A_11 = arith.cmpi eq, %arg0, %eq3A : i32
    %convert_element_type3A = arith.extui %eq3A_11 : i1 to i32
    %cond3A = arith.constant 0 : i32
    %cond3A_12 = arith.cmpi ne, %convert_element_type3A, %cond3A : i32
    scf.if %cond3A_12 {
      %scan3A_18 = arith.constant 0 : i32
      %scan3A_19 = arith.constant 0 : i32
      %scan3A_20 = arith.constant 5 : i32
      %scan3A_21 = arith.addi %scan3A_19, %scan3A_20 : i32
      %scan3A_22 = arith.constant 1 : i32
      scf.for %scan3A_29 = %scan3A_19 to %scan3A_21 step %scan3A_22  : i32 {
        %mul3A_30 = arith.constant 20000 : i32
        %mul3A_31 = arith.muli %arg1, %mul3A_30 : i32
        %mul3A_32 = arith.constant 4000 : i32
        %mul3A_33 = arith.muli %scan3A_29, %mul3A_32 : i32
        %add3A = arith.addi %mul3A_31, %mul3A_33 : i32
        %run_scoped3A = arith.constant 0 : i32
        "tpu.region"() ({
          %run_scoped3A_41 = tpu.sem_alloc : memref<!tpu.dma_semaphore, #tpu.memory_space<semaphore_mem>>
          %dma_start3A = tpu.memref_slice %arg4[%run_scoped3A, %add3A] : memref<2x320000xi32, #tpu.memory_space<hbm>> -> memref<1x4000xi32, #tpu.memory_space<hbm>>
          %dma_start3A_42 = tpu.memref_squeeze %dma_start3A : memref<1x4000xi32, #tpu.memory_space<hbm>> -> memref<4000xi32, #tpu.memory_space<hbm>>
          %dma_start3A_43 = tpu.memref_slice %arg4[%run_scoped3A, %add3A] : memref<2x320000xi32, #tpu.memory_space<hbm>> -> memref<1x4000xi32, #tpu.memory_space<hbm>>
          %dma_start3A_44 = tpu.memref_squeeze %dma_start3A_43 : memref<1x4000xi32, #tpu.memory_space<hbm>> -> memref<4000xi32, #tpu.memory_space<hbm>>
          tpu.enqueue_dma source(%dma_start3A_44 : memref<4000xi32, #tpu.memory_space<hbm>>) target(%arg11 : memref<4000xi32, #tpu.memory_space<vmem>>) target_semaphore(%run_scoped3A_41 : memref<!tpu.dma_semaphore, #tpu.memory_space<semaphore_mem>>)
          %dma_wait3A = tpu.memref_slice %arg4[%run_scoped3A, %add3A] : memref<2x320000xi32, #tpu.memory_space<hbm>> -> memref<1x4000xi32, #tpu.memory_space<hbm>>
          %dma_wait3A_45 = tpu.memref_squeeze %dma_wait3A : memref<1x4000xi32, #tpu.memory_space<hbm>> -> memref<4000xi32, #tpu.memory_space<hbm>>
          %dma_wait3A_46 = tpu.memref_slice %arg4[%run_scoped3A, %add3A] : memref<2x320000xi32, #tpu.memory_space<hbm>> -> memref<1x4000xi32, #tpu.memory_space<hbm>>
          %dma_wait3A_47 = tpu.memref_squeeze %dma_wait3A_46 : memref<1x4000xi32, #tpu.memory_space<hbm>> -> memref<4000xi32, #tpu.memory_space<hbm>>
          tpu.wait_dma2 semaphore(%run_scoped3A_41 : memref<!tpu.dma_semaphore, #tpu.memory_space<semaphore_mem>>) src(%dma_wait3A_47 : memref<4000xi32, #tpu.memory_space<hbm>>) dst(%arg11 : memref<4000xi32, #tpu.memory_space<vmem>>)
          tpu.yield
        }) : () -> ()
        %run_scoped3A_34 = arith.constant 1 : i32
        "tpu.region"() ({
          %run_scoped3A_41 = tpu.sem_alloc : memref<!tpu.dma_semaphore, #tpu.memory_space<semaphore_mem>>
          %dma_start3A = tpu.memref_slice %arg4[%run_scoped3A_34, %add3A] : memref<2x320000xi32, #tpu.memory_space<hbm>> -> memref<1x4000xi32, #tpu.memory_space<hbm>>
          %dma_start3A_42 = tpu.memref_squeeze %dma_start3A : memref<1x4000xi32, #tpu.memory_space<hbm>> -> memref<4000xi32, #tpu.memory_space<hbm>>
          %dma_start3A_43 = tpu.memref_slice %arg4[%run_scoped3A_34, %add3A] : memref<2x320000xi32, #tpu.memory_space<hbm>> -> memref<1x4000xi32, #tpu.memory_space<hbm>>
          %dma_start3A_44 = tpu.memref_squeeze %dma_start3A_43 : memref<1x4000xi32, #tpu.memory_space<hbm>> -> memref<4000xi32, #tpu.memory_space<hbm>>
          tpu.enqueue_dma source(%dma_start3A_44 : memref<4000xi32, #tpu.memory_space<hbm>>) target(%arg12 : memref<4000xi32, #tpu.memory_space<vmem>>) target_semaphore(%run_scoped3A_41 : memref<!tpu.dma_semaphore, #tpu.memory_space<semaphore_mem>>)
          %dma_wait3A = tpu.memref_slice %arg4[%run_scoped3A_34, %add3A] : memref<2x320000xi32, #tpu.memory_space<hbm>> -> memref<1x4000xi32, #tpu.memory_space<hbm>>
          %dma_wait3A_45 = tpu.memref_squeeze %dma_wait3A : memref<1x4000xi32, #tpu.memory_space<hbm>> -> memref<4000xi32, #tpu.memory_space<hbm>>
          %dma_wait3A_46 = tpu.memref_slice %arg4[%run_scoped3A_34, %add3A] : memref<2x320000xi32, #tpu.memory_space<hbm>> -> memref<1x4000xi32, #tpu.memory_space<hbm>>
          %dma_wait3A_47 = tpu.memref_squeeze %dma_wait3A_46 : memref<1x4000xi32, #tpu.memory_space<hbm>> -> memref<4000xi32, #tpu.memory_space<hbm>>
          tpu.wait_dma2 semaphore(%run_scoped3A_41 : memref<!tpu.dma_semaphore, #tpu.memory_space<semaphore_mem>>) src(%dma_wait3A_47 : memref<4000xi32, #tpu.memory_space<hbm>>) dst(%arg12 : memref<4000xi32, #tpu.memory_space<vmem>>)
          tpu.yield
        }) : () -> ()
        %scan3A_35 = arith.constant 0 : i32
        %scan3A_36 = arith.constant 0 : i32
        %scan3A_37 = arith.constant 5 : i32
        %scan3A_38 = arith.addi %scan3A_36, %scan3A_37 : i32
        %scan3A_39 = arith.constant 1 : i32
        scf.for %scan3A_41 = %scan3A_36 to %scan3A_38 step %scan3A_39  : i32 {
          %mul3A_42 = arith.constant 800 : i32
          %mul3A_43 = arith.muli %scan3A_41, %mul3A_42 : i32
          %dma_start3A = tpu.memref_slice %arg11[%mul3A_43] : memref<4000xi32, #tpu.memory_space<vmem>> -> memref<800xi32, #tpu.memory_space<vmem>>
          %dma_start3A_44 = arith.constant 0 : i32
          %dma_start3A_45 = arith.constant 0 : i32
          %dma_start3A_46 = tpu.memref_slice %arg2[%dma_start3A_44, %dma_start3A_45] : memref<10000x64xf32, #tpu.memory_space<hbm>> -> memref<10000x64xf32, #tpu.memory_space<hbm>>
          tpu.enqueue_indirect_dma source(%dma_start3A_46 : memref<10000x64xf32, #tpu.memory_space<hbm>>) target(%arg13 : memref<800x64xf32, #tpu.memory_space<vmem>>) offsets(%dma_start3A : memref<800xi32, #tpu.memory_space<vmem>>) semaphore(%arg16 : memref<!tpu.dma_semaphore, #tpu.memory_space<semaphore_mem>>)
          %scan3A_47 = arith.constant 0 : i32
          %scan3A_48 = arith.constant 0 : i32
          %scan3A_49 = arith.constant 50 : i32
          %scan3A_50 = arith.addi %scan3A_48, %scan3A_49 : i32
          %scan3A_51 = arith.constant 1 : i32
          scf.for %scan3A_58 = %scan3A_48 to %scan3A_50 step %scan3A_51  : i32 {
            %mul3A_59 = arith.constant 800 : i32
            %mul3A_60 = arith.muli %scan3A_41, %mul3A_59 : i32
            %mul3A_61 = arith.constant 16 : i32
            %mul3A_62 = arith.muli %scan3A_58, %mul3A_61 : i32
            %add3A_63 = arith.addi %mul3A_60, %mul3A_62 : i32
            %get3A = arith.index_cast %add3A_63 : i32 to index
            %get3A_64 = tpu.vector_load %arg12[%get3A] {strides = array<i32>} : memref<4000xi32, #tpu.memory_space<vmem>>, vector<16xi32>,
            tpu.vector_store_idx %arg14[%get3A_64], %broadcast_in_dim3A_10 {add = true} : memref<10112xf32, #tpu.memory_space<vmem>>[vector<16xi32>], vector<16xf32>,
          }
          %scan3A_52 = arith.constant 50 : i32
          %dma_wait3A = tpu.memref_slice %arg11[%mul3A_43] : memref<4000xi32, #tpu.memory_space<vmem>> -> memref<800xi32, #tpu.memory_space<vmem>>
          %dma_wait3A_53 = arith.constant 0 : i32
          %dma_wait3A_54 = arith.constant 0 : i32
          %dma_wait3A_55 = tpu.memref_slice %arg2[%dma_wait3A_53, %dma_wait3A_54] : memref<10000x64xf32, #tpu.memory_space<hbm>> -> memref<10000x64xf32, #tpu.memory_space<hbm>>
          tpu.wait_indirect_dma semaphore(%arg16 : memref<!tpu.dma_semaphore, #tpu.memory_space<semaphore_mem>>) src(%dma_wait3A_55 : memref<10000x64xf32, #tpu.memory_space<hbm>>) dst(%arg13 : memref<800x64xf32, #tpu.memory_space<vmem>>)
          %mul3A_56 = arith.constant 800 : i32
          %mul3A_57 = arith.muli %scan3A_41, %mul3A_56 : i32
          "tpu.region"() ({
            %run_scoped3A_58 = tpu.sem_alloc : memref<!tpu.dma_semaphore, #tpu.memory_space<semaphore_mem>>
            %dma_start3A_59 = tpu.memref_slice %arg12[%mul3A_57] : memref<4000xi32, #tpu.memory_space<vmem>> -> memref<800xi32, #tpu.memory_space<vmem>>
            %dma_start3A_60 = arith.constant 0 : i32
            %dma_start3A_61 = arith.constant 0 : i32
            %dma_start3A_62 = tpu.memref_slice %arg15[%dma_start3A_60, %dma_start3A_61] : memref<10112x64xf32, #tpu.memory_space<vmem_shared>> -> memref<10112x64xf32, #tpu.memory_space<vmem_shared>>
            tpu.enqueue_indirect_dma source(%arg13 : memref<800x64xf32, #tpu.memory_space<vmem>>) target(%dma_start3A_62 : memref<10112x64xf32, #tpu.memory_space<vmem_shared>>) offsets(%dma_start3A_59 : memref<800xi32, #tpu.memory_space<vmem>>) semaphore(%run_scoped3A_58 : memref<!tpu.dma_semaphore, #tpu.memory_space<semaphore_mem>>) {add = true}
            %dma_wait3A_63 = tpu.memref_slice %arg12[%mul3A_57] : memref<4000xi32, #tpu.memory_space<vmem>> -> memref<800xi32, #tpu.memory_space<vmem>>
            %dma_wait3A_64 = arith.constant 0 : i32
            %dma_wait3A_65 = arith.constant 0 : i32
            %dma_wait3A_66 = tpu.memref_slice %arg15[%dma_wait3A_64, %dma_wait3A_65] : memref<10112x64xf32, #tpu.memory_space<vmem_shared>> -> memref<10112x64xf32, #tpu.memory_space<vmem_shared>>
            tpu.wait_indirect_dma semaphore(%run_scoped3A_58 : memref<!tpu.dma_semaphore, #tpu.memory_space<semaphore_mem>>) src(%arg13 : memref<800x64xf32, #tpu.memory_space<vmem>>) dst(%dma_wait3A_66 : memref<10112x64xf32, #tpu.memory_space<vmem_shared>>)
            tpu.yield
          }) : () -> ()
        }
        %scan3A_40 = arith.constant 5 : i32
      }
      %scan3A_23 = arith.constant 5 : i32
      "tpu.region"() ({
        %run_scoped3A = tpu.sem_alloc : memref<!tpu.dma_semaphore, #tpu.memory_space<semaphore_mem>>
        %dma_start3A = arith.constant 0 : i32
        %dma_start3A_29 = tpu.memref_slice %arg9[%arg1, %dma_start3A] : memref<16x10112xf32, #tpu.memory_space<hbm>> -> memref<1x10112xf32, #tpu.memory_space<hbm>>
        %dma_start3A_30 = tpu.memref_squeeze %dma_start3A_29 : memref<1x10112xf32, #tpu.memory_space<hbm>> -> memref<10112xf32, #tpu.memory_space<hbm>>
        %dma_start3A_31 = arith.constant 0 : i32
        %dma_start3A_32 = tpu.memref_slice %arg9[%arg1, %dma_start3A_31] : memref<16x10112xf32, #tpu.memory_space<hbm>> -> memref<1x10112xf32, #tpu.memory_space<hbm>>
        %dma_start3A_33 = tpu.memref_squeeze %dma_start3A_32 : memref<1x10112xf32, #tpu.memory_space<hbm>> -> memref<10112xf32, #tpu.memory_space<hbm>>
        tpu.enqueue_dma source(%arg14 : memref<10112xf32, #tpu.memory_space<vmem>>) target(%dma_start3A_33 : memref<10112xf32, #tpu.memory_space<hbm>>) target_semaphore(%run_scoped3A : memref<!tpu.dma_semaphore, #tpu.memory_space<semaphore_mem>>)
        %dma_wait3A = arith.constant 0 : i32
        %dma_wait3A_34 = tpu.memref_slice %arg9[%arg1, %dma_wait3A] : memref<16x10112xf32, #tpu.memory_space<hbm>> -> memref<1x10112xf32, #tpu.memory_space<hbm>>
        %dma_wait3A_35 = tpu.memref_squeeze %dma_wait3A_34 : memref<1x10112xf32, #tpu.memory_space<hbm>> -> memref<10112xf32, #tpu.memory_space<hbm>>
        %dma_wait3A_36 = arith.constant 0 : i32
        %dma_wait3A_37 = tpu.memref_slice %arg9[%arg1, %dma_wait3A_36] : memref<16x10112xf32, #tpu.memory_space<hbm>> -> memref<1x10112xf32, #tpu.memory_space<hbm>>
        %dma_wait3A_38 = tpu.memref_squeeze %dma_wait3A_37 : memref<1x10112xf32, #tpu.memory_space<hbm>> -> memref<10112xf32, #tpu.memory_space<hbm>>
        tpu.wait_dma2 semaphore(%run_scoped3A : memref<!tpu.dma_semaphore, #tpu.memory_space<semaphore_mem>>) src(%arg14 : memref<10112xf32, #tpu.memory_space<vmem>>) dst(%dma_wait3A_38 : memref<10112xf32, #tpu.memory_space<hbm>>)
        tpu.yield
      }) : () -> ()
      %barrier3A_24 = arith.constant 0 : index
      tpu.barrier barrier_id(%barrier3A_24)
      %mul3A_25 = arith.constant 632 : i32
      %mul3A_26 = arith.muli %arg1, %mul3A_25 : i32
      %mul3A_27 = arith.constant 632 : i32
      %mul3A_28 = arith.muli %arg1, %mul3A_27 : i32
      "tpu.region"() ({
        %run_scoped3A = tpu.sem_alloc : memref<!tpu.dma_semaphore, #tpu.memory_space<semaphore_mem>>
        %dma_start3A = arith.constant 0 : i32
        %dma_start3A_29 = tpu.memref_slice %arg7[%mul3A_28, %dma_start3A] : memref<10112x64xf32, #tpu.memory_space<hbm>> -> memref<632x64xf32, #tpu.memory_space<hbm>>
        %dma_start3A_30 = arith.constant 0 : i32
        %dma_start3A_31 = tpu.memref_slice %arg15[%mul3A_26, %dma_start3A_30] : memref<10112x64xf32, #tpu.memory_space<vmem_shared>> -> memref<632x64xf32, #tpu.memory_space<vmem_shared>>
        tpu.enqueue_dma source(%dma_start3A_31 : memref<632x64xf32, #tpu.memory_space<vmem_shared>>) target(%dma_start3A_29 : memref<632x64xf32, #tpu.memory_space<hbm>>) target_semaphore(%run_scoped3A : memref<!tpu.dma_semaphore, #tpu.memory_space<semaphore_mem>>)
        %dma_wait3A = arith.constant 0 : i32
        %dma_wait3A_32 = tpu.memref_slice %arg7[%mul3A_28, %dma_wait3A] : memref<10112x64xf32, #tpu.memory_space<hbm>> -> memref<632x64xf32, #tpu.memory_space<hbm>>
        %dma_wait3A_33 = arith.constant 0 : i32
        %dma_wait3A_34 = tpu.memref_slice %arg15[%mul3A_26, %dma_wait3A_33] : memref<10112x64xf32, #tpu.memory_space<vmem_shared>> -> memref<632x64xf32, #tpu.memory_space<vmem_shared>>
        tpu.wait_dma2 semaphore(%run_scoped3A : memref<!tpu.dma_semaphore, #tpu.memory_space<semaphore_mem>>) src(%dma_wait3A_34 : memref<632x64xf32, #tpu.memory_space<vmem_shared>>) dst(%dma_wait3A_32 : memref<632x64xf32, #tpu.memory_space<hbm>>)
        tpu.yield
      }) : () -> ()
    } else {
    }
    %eq3A_13 = arith.constant 1 : i32
    %eq3A_14 = arith.cmpi eq, %arg0, %eq3A_13 : i32
    %convert_element_type3A_15 = arith.extui %eq3A_14 : i1 to i32
    %cond3A_16 = arith.constant 0 : i32
    %cond3A_17 = arith.cmpi ne, %convert_element_type3A_15, %cond3A_16 : i32
    scf.if %cond3A_17 {
      %scan3A_18 = arith.constant 0 : i32
      %scan3A_19 = arith.constant 0 : i32
      %scan3A_20 = arith.constant 5 : i32
      %scan3A_21 = arith.addi %scan3A_19, %scan3A_20 : i32
      %scan3A_22 = arith.constant 1 : i32
      scf.for %scan3A_29 = %scan3A_19 to %scan3A_21 step %scan3A_22  : i32 {
        %mul3A_30 = arith.constant 20000 : i32
        %mul3A_31 = arith.muli %arg1, %mul3A_30 : i32
        %mul3A_32 = arith.constant 4000 : i32
        %mul3A_33 = arith.muli %scan3A_29, %mul3A_32 : i32
        %add3A = arith.addi %mul3A_31, %mul3A_33 : i32
        %run_scoped3A = arith.constant 0 : i32
        "tpu.region"() ({
          %run_scoped3A_41 = tpu.sem_alloc : memref<!tpu.dma_semaphore, #tpu.memory_space<semaphore_mem>>
          %dma_start3A = tpu.memref_slice %arg5[%run_scoped3A, %add3A] : memref<2x320000xi32, #tpu.memory_space<hbm>> -> memref<1x4000xi32, #tpu.memory_space<hbm>>
          %dma_start3A_42 = tpu.memref_squeeze %dma_start3A : memref<1x4000xi32, #tpu.memory_space<hbm>> -> memref<4000xi32, #tpu.memory_space<hbm>>
          %dma_start3A_43 = tpu.memref_slice %arg5[%run_scoped3A, %add3A] : memref<2x320000xi32, #tpu.memory_space<hbm>> -> memref<1x4000xi32, #tpu.memory_space<hbm>>
          %dma_start3A_44 = tpu.memref_squeeze %dma_start3A_43 : memref<1x4000xi32, #tpu.memory_space<hbm>> -> memref<4000xi32, #tpu.memory_space<hbm>>
          tpu.enqueue_dma source(%dma_start3A_44 : memref<4000xi32, #tpu.memory_space<hbm>>) target(%arg11 : memref<4000xi32, #tpu.memory_space<vmem>>) target_semaphore(%run_scoped3A_41 : memref<!tpu.dma_semaphore, #tpu.memory_space<semaphore_mem>>)
          %dma_wait3A = tpu.memref_slice %arg5[%run_scoped3A, %add3A] : memref<2x320000xi32, #tpu.memory_space<hbm>> -> memref<1x4000xi32, #tpu.memory_space<hbm>>
          %dma_wait3A_45 = tpu.memref_squeeze %dma_wait3A : memref<1x4000xi32, #tpu.memory_space<hbm>> -> memref<4000xi32, #tpu.memory_space<hbm>>
          %dma_wait3A_46 = tpu.memref_slice %arg5[%run_scoped3A, %add3A] : memref<2x320000xi32, #tpu.memory_space<hbm>> -> memref<1x4000xi32, #tpu.memory_space<hbm>>
          %dma_wait3A_47 = tpu.memref_squeeze %dma_wait3A_46 : memref<1x4000xi32, #tpu.memory_space<hbm>> -> memref<4000xi32, #tpu.memory_space<hbm>>
          tpu.wait_dma2 semaphore(%run_scoped3A_41 : memref<!tpu.dma_semaphore, #tpu.memory_space<semaphore_mem>>) src(%dma_wait3A_47 : memref<4000xi32, #tpu.memory_space<hbm>>) dst(%arg11 : memref<4000xi32, #tpu.memory_space<vmem>>)
          tpu.yield
        }) : () -> ()
        %run_scoped3A_34 = arith.constant 1 : i32
        "tpu.region"() ({
          %run_scoped3A_41 = tpu.sem_alloc : memref<!tpu.dma_semaphore, #tpu.memory_space<semaphore_mem>>
          %dma_start3A = tpu.memref_slice %arg5[%run_scoped3A_34, %add3A] : memref<2x320000xi32, #tpu.memory_space<hbm>> -> memref<1x4000xi32, #tpu.memory_space<hbm>>
          %dma_start3A_42 = tpu.memref_squeeze %dma_start3A : memref<1x4000xi32, #tpu.memory_space<hbm>> -> memref<4000xi32, #tpu.memory_space<hbm>>
          %dma_start3A_43 = tpu.memref_slice %arg5[%run_scoped3A_34, %add3A] : memref<2x320000xi32, #tpu.memory_space<hbm>> -> memref<1x4000xi32, #tpu.memory_space<hbm>>
          %dma_start3A_44 = tpu.memref_squeeze %dma_start3A_43 : memref<1x4000xi32, #tpu.memory_space<hbm>> -> memref<4000xi32, #tpu.memory_space<hbm>>
          tpu.enqueue_dma source(%dma_start3A_44 : memref<4000xi32, #tpu.memory_space<hbm>>) target(%arg12 : memref<4000xi32, #tpu.memory_space<vmem>>) target_semaphore(%run_scoped3A_41 : memref<!tpu.dma_semaphore, #tpu.memory_space<semaphore_mem>>)
          %dma_wait3A = tpu.memref_slice %arg5[%run_scoped3A_34, %add3A] : memref<2x320000xi32, #tpu.memory_space<hbm>> -> memref<1x4000xi32, #tpu.memory_space<hbm>>
          %dma_wait3A_45 = tpu.memref_squeeze %dma_wait3A : memref<1x4000xi32, #tpu.memory_space<hbm>> -> memref<4000xi32, #tpu.memory_space<hbm>>
          %dma_wait3A_46 = tpu.memref_slice %arg5[%run_scoped3A_34, %add3A] : memref<2x320000xi32, #tpu.memory_space<hbm>> -> memref<1x4000xi32, #tpu.memory_space<hbm>>
          %dma_wait3A_47 = tpu.memref_squeeze %dma_wait3A_46 : memref<1x4000xi32, #tpu.memory_space<hbm>> -> memref<4000xi32, #tpu.memory_space<hbm>>
          tpu.wait_dma2 semaphore(%run_scoped3A_41 : memref<!tpu.dma_semaphore, #tpu.memory_space<semaphore_mem>>) src(%dma_wait3A_47 : memref<4000xi32, #tpu.memory_space<hbm>>) dst(%arg12 : memref<4000xi32, #tpu.memory_space<vmem>>)
          tpu.yield
        }) : () -> ()
        %scan3A_35 = arith.constant 0 : i32
        %scan3A_36 = arith.constant 0 : i32
        %scan3A_37 = arith.constant 5 : i32
        %scan3A_38 = arith.addi %scan3A_36, %scan3A_37 : i32
        %scan3A_39 = arith.constant 1 : i32
        scf.for %scan3A_41 = %scan3A_36 to %scan3A_38 step %scan3A_39  : i32 {
          %mul3A_42 = arith.constant 800 : i32
          %mul3A_43 = arith.muli %scan3A_41, %mul3A_42 : i32
          %dma_start3A = tpu.memref_slice %arg11[%mul3A_43] : memref<4000xi32, #tpu.memory_space<vmem>> -> memref<800xi32, #tpu.memory_space<vmem>>
          %dma_start3A_44 = arith.constant 0 : i32
          %dma_start3A_45 = arith.constant 0 : i32
          %dma_start3A_46 = tpu.memref_slice %arg3[%dma_start3A_44, %dma_start3A_45] : memref<10000x64xf32, #tpu.memory_space<hbm>> -> memref<10000x64xf32, #tpu.memory_space<hbm>>
          tpu.enqueue_indirect_dma source(%dma_start3A_46 : memref<10000x64xf32, #tpu.memory_space<hbm>>) target(%arg13 : memref<800x64xf32, #tpu.memory_space<vmem>>) offsets(%dma_start3A : memref<800xi32, #tpu.memory_space<vmem>>) semaphore(%arg16 : memref<!tpu.dma_semaphore, #tpu.memory_space<semaphore_mem>>)
          %scan3A_47 = arith.constant 0 : i32
          %scan3A_48 = arith.constant 0 : i32
          %scan3A_49 = arith.constant 50 : i32
          %scan3A_50 = arith.addi %scan3A_48, %scan3A_49 : i32
          %scan3A_51 = arith.constant 1 : i32
          scf.for %scan3A_58 = %scan3A_48 to %scan3A_50 step %scan3A_51  : i32 {
            %mul3A_59 = arith.constant 800 : i32
            %mul3A_60 = arith.muli %scan3A_41, %mul3A_59 : i32
            %mul3A_61 = arith.constant 16 : i32
            %mul3A_62 = arith.muli %scan3A_58, %mul3A_61 : i32
            %add3A_63 = arith.addi %mul3A_60, %mul3A_62 : i32
            %get3A = arith.index_cast %add3A_63 : i32 to index
            %get3A_64 = tpu.vector_load %arg12[%get3A] {strides = array<i32>} : memref<4000xi32, #tpu.memory_space<vmem>>, vector<16xi32>,
            tpu.vector_store_idx %arg14[%get3A_64], %broadcast_in_dim3A_10 {add = true} : memref<10112xf32, #tpu.memory_space<vmem>>[vector<16xi32>], vector<16xf32>,
          }
          %scan3A_52 = arith.constant 50 : i32
          %dma_wait3A = tpu.memref_slice %arg11[%mul3A_43] : memref<4000xi32, #tpu.memory_space<vmem>> -> memref<800xi32, #tpu.memory_space<vmem>>
          %dma_wait3A_53 = arith.constant 0 : i32
          %dma_wait3A_54 = arith.constant 0 : i32
          %dma_wait3A_55 = tpu.memref_slice %arg3[%dma_wait3A_53, %dma_wait3A_54] : memref<10000x64xf32, #tpu.memory_space<hbm>> -> memref<10000x64xf32, #tpu.memory_space<hbm>>
          tpu.wait_indirect_dma semaphore(%arg16 : memref<!tpu.dma_semaphore, #tpu.memory_space<semaphore_mem>>) src(%dma_wait3A_55 : memref<10000x64xf32, #tpu.memory_space<hbm>>) dst(%arg13 : memref<800x64xf32, #tpu.memory_space<vmem>>)
          %mul3A_56 = arith.constant 800 : i32
          %mul3A_57 = arith.muli %scan3A_41, %mul3A_56 : i32
          "tpu.region"() ({
            %run_scoped3A_58 = tpu.sem_alloc : memref<!tpu.dma_semaphore, #tpu.memory_space<semaphore_mem>>
            %dma_start3A_59 = tpu.memref_slice %arg12[%mul3A_57] : memref<4000xi32, #tpu.memory_space<vmem>> -> memref<800xi32, #tpu.memory_space<vmem>>
            %dma_start3A_60 = arith.constant 0 : i32
            %dma_start3A_61 = arith.constant 0 : i32
            %dma_start3A_62 = tpu.memref_slice %arg15[%dma_start3A_60, %dma_start3A_61] : memref<10112x64xf32, #tpu.memory_space<vmem_shared>> -> memref<10112x64xf32, #tpu.memory_space<vmem_shared>>
            tpu.enqueue_indirect_dma source(%arg13 : memref<800x64xf32, #tpu.memory_space<vmem>>) target(%dma_start3A_62 : memref<10112x64xf32, #tpu.memory_space<vmem_shared>>) offsets(%dma_start3A_59 : memref<800xi32, #tpu.memory_space<vmem>>) semaphore(%run_scoped3A_58 : memref<!tpu.dma_semaphore, #tpu.memory_space<semaphore_mem>>) {add = true}
            %dma_wait3A_63 = tpu.memref_slice %arg12[%mul3A_57] : memref<4000xi32, #tpu.memory_space<vmem>> -> memref<800xi32, #tpu.memory_space<vmem>>
            %dma_wait3A_64 = arith.constant 0 : i32
            %dma_wait3A_65 = arith.constant 0 : i32
            %dma_wait3A_66 = tpu.memref_slice %arg15[%dma_wait3A_64, %dma_wait3A_65] : memref<10112x64xf32, #tpu.memory_space<vmem_shared>> -> memref<10112x64xf32, #tpu.memory_space<vmem_shared>>
            tpu.wait_indirect_dma semaphore(%run_scoped3A_58 : memref<!tpu.dma_semaphore, #tpu.memory_space<semaphore_mem>>) src(%arg13 : memref<800x64xf32, #tpu.memory_space<vmem>>) dst(%dma_wait3A_66 : memref<10112x64xf32, #tpu.memory_space<vmem_shared>>)
            tpu.yield
          }) : () -> ()
        }
        %scan3A_40 = arith.constant 5 : i32
      }
      %scan3A_23 = arith.constant 5 : i32
      "tpu.region"() ({
        %run_scoped3A = tpu.sem_alloc : memref<!tpu.dma_semaphore, #tpu.memory_space<semaphore_mem>>
        %dma_start3A = arith.constant 0 : i32
        %dma_start3A_29 = tpu.memref_slice %arg10[%arg1, %dma_start3A] : memref<16x10112xf32, #tpu.memory_space<hbm>> -> memref<1x10112xf32, #tpu.memory_space<hbm>>
        %dma_start3A_30 = tpu.memref_squeeze %dma_start3A_29 : memref<1x10112xf32, #tpu.memory_space<hbm>> -> memref<10112xf32, #tpu.memory_space<hbm>>
        %dma_start3A_31 = arith.constant 0 : i32
        %dma_start3A_32 = tpu.memref_slice %arg10[%arg1, %dma_start3A_31] : memref<16x10112xf32, #tpu.memory_space<hbm>> -> memref<1x10112xf32, #tpu.memory_space<hbm>>
        %dma_start3A_33 = tpu.memref_squeeze %dma_start3A_32 : memref<1x10112xf32, #tpu.memory_space<hbm>> -> memref<10112xf32, #tpu.memory_space<hbm>>
        tpu.enqueue_dma source(%arg14 : memref<10112xf32, #tpu.memory_space<vmem>>) target(%dma_start3A_33 : memref<10112xf32, #tpu.memory_space<hbm>>) target_semaphore(%run_scoped3A : memref<!tpu.dma_semaphore, #tpu.memory_space<semaphore_mem>>)
        %dma_wait3A = arith.constant 0 : i32
        %dma_wait3A_34 = tpu.memref_slice %arg10[%arg1, %dma_wait3A] : memref<16x10112xf32, #tpu.memory_space<hbm>> -> memref<1x10112xf32, #tpu.memory_space<hbm>>
        %dma_wait3A_35 = tpu.memref_squeeze %dma_wait3A_34 : memref<1x10112xf32, #tpu.memory_space<hbm>> -> memref<10112xf32, #tpu.memory_space<hbm>>
        %dma_wait3A_36 = arith.constant 0 : i32
        %dma_wait3A_37 = tpu.memref_slice %arg10[%arg1, %dma_wait3A_36] : memref<16x10112xf32, #tpu.memory_space<hbm>> -> memref<1x10112xf32, #tpu.memory_space<hbm>>
        %dma_wait3A_38 = tpu.memref_squeeze %dma_wait3A_37 : memref<1x10112xf32, #tpu.memory_space<hbm>> -> memref<10112xf32, #tpu.memory_space<hbm>>
        tpu.wait_dma2 semaphore(%run_scoped3A : memref<!tpu.dma_semaphore, #tpu.memory_space<semaphore_mem>>) src(%arg14 : memref<10112xf32, #tpu.memory_space<vmem>>) dst(%dma_wait3A_38 : memref<10112xf32, #tpu.memory_space<hbm>>)
        tpu.yield
      }) : () -> ()
      %barrier3A_24 = arith.constant 0 : index
      tpu.barrier barrier_id(%barrier3A_24)
      %mul3A_25 = arith.constant 632 : i32
      %mul3A_26 = arith.muli %arg1, %mul3A_25 : i32
      %mul3A_27 = arith.constant 632 : i32
      %mul3A_28 = arith.muli %arg1, %mul3A_27 : i32
      "tpu.region"() ({
        %run_scoped3A = tpu.sem_alloc : memref<!tpu.dma_semaphore, #tpu.memory_space<semaphore_mem>>
        %dma_start3A = arith.constant 0 : i32
        %dma_start3A_29 = tpu.memref_slice %arg8[%mul3A_28, %dma_start3A] : memref<10112x64xf32, #tpu.memory_space<hbm>> -> memref<632x64xf32, #tpu.memory_space<hbm>>
        %dma_start3A_30 = arith.constant 0 : i32
        %dma_start3A_31 = tpu.memref_slice %arg15[%mul3A_26, %dma_start3A_30] : memref<10112x64xf32, #tpu.memory_space<vmem_shared>> -> memref<632x64xf32, #tpu.memory_space<vmem_shared>>
        tpu.enqueue_dma source(%dma_start3A_31 : memref<632x64xf32, #tpu.memory_space<vmem_shared>>) target(%dma_start3A_29 : memref<632x64xf32, #tpu.memory_space<hbm>>) target_semaphore(%run_scoped3A : memref<!tpu.dma_semaphore, #tpu.memory_space<semaphore_mem>>)
        %dma_wait3A = arith.constant 0 : i32
        %dma_wait3A_32 = tpu.memref_slice %arg8[%mul3A_28, %dma_wait3A] : memref<10112x64xf32, #tpu.memory_space<hbm>> -> memref<632x64xf32, #tpu.memory_space<hbm>>
        %dma_wait3A_33 = arith.constant 0 : i32
        %dma_wait3A_34 = tpu.memref_slice %arg15[%mul3A_26, %dma_wait3A_33] : memref<10112x64xf32, #tpu.memory_space<vmem_shared>> -> memref<632x64xf32, #tpu.memory_space<vmem_shared>>
        tpu.wait_dma2 semaphore(%run_scoped3A : memref<!tpu.dma_semaphore, #tpu.memory_space<semaphore_mem>>) src(%dma_wait3A_34 : memref<632x64xf32, #tpu.memory_space<vmem_shared>>) dst(%dma_wait3A_32 : memref<632x64xf32, #tpu.memory_space<hbm>>)
        tpu.yield
      }) : () -> ()
    } else {
    }
    return
  }
}

module attributes {stable_mosaic.version = 14 : i64} {
  func.func @_pre_body(%arg0: i32, %arg1: memref<2000x128xf32, #tpu.memory_space<vmem>>, %arg2: memref<128x128xf32, #tpu.memory_space<vmem>>, %arg3: memref<2000x64xf32, #tpu.memory_space<vmem>>, %arg4: memref<2000x64xf32, #tpu.memory_space<vmem>>) attributes {dimension_semantics = [#tpu.dimension_semantics<arbitrary>], iteration_bounds = array<i64: 5>, scalar_prefetch = 0 : i64, scratch_operands = 0 : i64, tpu.core_type = #tpu.core_type<tc>, window_params = [{transform_indices = @transform_0, window_bounds = array<i64: 2000, 128>}, {pipeline_mode = #tpu.pipeline_mode<synchronous>, transform_indices = @transform_1, window_bounds = array<i64: 128, 128>}, {transform_indices = @transform_2, window_bounds = array<i64: 2000, 64>}, {transform_indices = @transform_3, window_bounds = array<i64: 2000, 64>}]} {
    %get3A = arith.constant 0 : index
    %get3A_0 = arith.constant 0 : index
    %get3A_1 = vector.load %arg1[%get3A, %get3A_0] : memref<2000x128xf32, #tpu.memory_space<vmem>>, vector<2000x128xf32>
    %get3A_2 = arith.constant 0 : index
    %get3A_3 = arith.constant 0 : index
    %get3A_4 = vector.load %arg2[%get3A_2, %get3A_3] : memref<128x128xf32, #tpu.memory_space<vmem>>, vector<128x128xf32>
    %dot_general3A = arith.constant dense<0.000000e+00> : vector<2000x128xf32>
    %dot_general3A_5 = tpu.matmul %get3A_1, %get3A_4, %dot_general3A {dimension_numbers = #tpu.dot_dimension_numbers<[1], [0], [0], [1], [0, 0, 1, 1], [], []>, transpose_lhs_hint = false} : vector<2000x128xf32>, vector<128x128xf32>, vector<2000x128xf32> -> vector<2000x128xf32>
    %slice3A = vector.extract_strided_slice %dot_general3A_5 {offsets = [0, 0], sizes = [2000, 64], strides = [1, 1]} : vector<2000x128xf32> to vector<2000x64xf32>
    %swap3A = arith.constant 0 : index
    %swap3A_6 = arith.constant 0 : index
    %swap3A_7 = vector.load %arg3[%swap3A, %swap3A_6] : memref<2000x64xf32, #tpu.memory_space<vmem>>, vector<2000x64xf32>
    tpu.vector_store %arg3[%swap3A, %swap3A_6], %slice3A {strides = array<i32>} : memref<2000x64xf32, #tpu.memory_space<vmem>>, vector<2000x64xf32>,
    %slice3A_8 = vector.extract_strided_slice %dot_general3A_5 {offsets = [0, 64], sizes = [2000, 64], strides = [1, 1]} : vector<2000x128xf32> to vector<2000x64xf32>
    %swap3A_9 = arith.constant 0 : index
    %swap3A_10 = arith.constant 0 : index
    %swap3A_11 = vector.load %arg4[%swap3A_9, %swap3A_10] : memref<2000x64xf32, #tpu.memory_space<vmem>>, vector<2000x64xf32>
    tpu.vector_store %arg4[%swap3A_9, %swap3A_10], %slice3A_8 {strides = array<i32>} : memref<2000x64xf32, #tpu.memory_space<vmem>>, vector<2000x64xf32>,
    return
  }
  func.func @transform_0(%arg0: i32) -> (i32, i32) {
    %c0_i32 = arith.constant 0 : i32
    %c0_i32_0 = arith.constant 0 : i32
    return %arg0, %c0_i32 : i32, i32
  }
  func.func @transform_1(%arg0: i32) -> (i32, i32) {
    %c0_i32 = arith.constant 0 : i32
    %c0_i32_0 = arith.constant 0 : i32
    %c0_i32_1 = arith.constant 0 : i32
    return %c0_i32, %c0_i32_0 : i32, i32
  }
  func.func @transform_2(%arg0: i32) -> (i32, i32) {
    %c0_i32 = arith.constant 0 : i32
    %c0_i32_0 = arith.constant 0 : i32
    return %arg0, %c0_i32 : i32, i32
  }
  func.func @transform_3(%arg0: i32) -> (i32, i32) {
    %c0_i32 = arith.constant 0 : i32
    %c0_i32_0 = arith.constant 0 : i32
    return %arg0, %c0_i32 : i32, i32
  }
}

module attributes {stable_mosaic.version = 14 : i64} {
  func.func @_post_body(%arg0: memref<10000x128xf32, #tpu.memory_space<vmem>>, %arg1: memref<10000x64xf32, #tpu.memory_space<vmem>>, %arg2: memref<10000x64xf32, #tpu.memory_space<vmem>>, %arg3: memref<16x10112xf32, #tpu.memory_space<vmem>>, %arg4: memref<16x10112xf32, #tpu.memory_space<vmem>>, %arg5: memref<128x128xf32, #tpu.memory_space<vmem>>, %arg6: memref<1x128xf32, #tpu.memory_space<vmem>>, %arg7: memref<1x128xf32, #tpu.memory_space<vmem>>, %arg8: memref<1x128xf32, #tpu.memory_space<vmem>>, %arg9: memref<10000x128xf32, #tpu.memory_space<vmem>>) attributes {dimension_semantics = [], scalar_prefetch = 0 : i64, scratch_operands = 0 : i64, tpu.core_type = #tpu.core_type<tc>} {
    %get3A = arith.constant 0 : index
    %get3A_0 = arith.constant 0 : index
    %get3A_1 = vector.load %arg0[%get3A, %get3A_0] : memref<10000x128xf32, #tpu.memory_space<vmem>>, vector<10000x128xf32>
    %get3A_2 = arith.constant 0 : index
    %get3A_3 = arith.constant 0 : index
    %get3A_4 = vector.load %arg5[%get3A_2, %get3A_3] : memref<128x128xf32, #tpu.memory_space<vmem>>, vector<128x128xf32>
    %dot_general3A = arith.constant dense<0.000000e+00> : vector<10000x128xf32>
    %dot_general3A_5 = tpu.matmul %get3A_1, %get3A_4, %dot_general3A {dimension_numbers = #tpu.dot_dimension_numbers<[1], [0], [0], [1], [0, 0, 1, 1], [], []>, transpose_lhs_hint = false} : vector<10000x128xf32>, vector<128x128xf32>, vector<10000x128xf32> -> vector<10000x128xf32>
    %broadcast_in_dim3A = arith.constant 1.000000e+00 : f32
    %broadcast_in_dim3A_6 = vector.broadcast %broadcast_in_dim3A : f32 to vector<16x1xf32>
    %get3A_7 = arith.constant 0 : index
    %get3A_8 = arith.constant 0 : index
    %get3A_9 = vector.load %arg3[%get3A_7, %get3A_8] : memref<16x10112xf32, #tpu.memory_space<vmem>>, vector<16x10112xf32>
    %dot_general3A_10 = arith.constant dense<0.000000e+00> : vector<10112x1xf32>
    %dot_general3A_11 = tpu.matmul %get3A_9, %broadcast_in_dim3A_6, %dot_general3A_10 {dimension_numbers = #tpu.dot_dimension_numbers<[0], [0], [1], [1], [0, 1, 1, 1], [], []>, transpose_lhs_hint = false} : vector<16x10112xf32>, vector<16x1xf32>, vector<10112x1xf32> -> vector<10112x1xf32>
    %get3A_12 = arith.constant 0 : index
    %get3A_13 = arith.constant 0 : index
    %get3A_14 = vector.load %arg4[%get3A_12, %get3A_13] : memref<16x10112xf32, #tpu.memory_space<vmem>>, vector<16x10112xf32>
    %dot_general3A_15 = arith.constant dense<0.000000e+00> : vector<10112x1xf32>
    %dot_general3A_16 = tpu.matmul %get3A_14, %broadcast_in_dim3A_6, %dot_general3A_15 {dimension_numbers = #tpu.dot_dimension_numbers<[0], [0], [1], [1], [0, 1, 1, 1], [], []>, transpose_lhs_hint = false} : vector<16x10112xf32>, vector<16x1xf32>, vector<10112x1xf32> -> vector<10112x1xf32>
    %get3A_17 = arith.constant 0 : index
    %get3A_18 = arith.constant 0 : index
    %get3A_19 = vector.load %arg1[%get3A_17, %get3A_18] : memref<10000x64xf32, #tpu.memory_space<vmem>>, vector<10000x64xf32>
    %slice3A = vector.extract_strided_slice %dot_general3A_11 {offsets = [0, 0], sizes = [10000, 1], strides = [1, 1]} : vector<10112x1xf32> to vector<10000x1xf32>
    %max3A = arith.constant 1.000000e+00 : f32
    %max3A_20 = vector.broadcast %max3A : f32 to vector<10000x1xf32>
    %max3A_21 = arith.maximumf %slice3A, %max3A_20 : vector<10000x1xf32>
    %div3A = vector.broadcast %max3A_21 : vector<10000x1xf32> to vector<10000x64xf32>
    %div3A_22 = arith.divf %get3A_19, %div3A : vector<10000x64xf32>
    %get3A_23 = arith.constant 0 : index
    %get3A_24 = arith.constant 0 : index
    %get3A_25 = vector.load %arg2[%get3A_23, %get3A_24] : memref<10000x64xf32, #tpu.memory_space<vmem>>, vector<10000x64xf32>
    %slice3A_26 = vector.extract_strided_slice %dot_general3A_16 {offsets = [0, 0], sizes = [10000, 1], strides = [1, 1]} : vector<10112x1xf32> to vector<10000x1xf32>
    %max3A_27 = arith.constant 1.000000e+00 : f32
    %max3A_28 = vector.broadcast %max3A_27 : f32 to vector<10000x1xf32>
    %max3A_29 = arith.maximumf %slice3A_26, %max3A_28 : vector<10000x1xf32>
    %div3A_30 = vector.broadcast %max3A_29 : vector<10000x1xf32> to vector<10000x64xf32>
    %div3A_31 = arith.divf %get3A_25, %div3A_30 : vector<10000x64xf32>
    %concatenate3A = tpu.concatenate %div3A_22, %div3A_31 in 1 : vector<10000x64xf32>, vector<10000x64xf32> -> vector<10000x128xf32>
    %add3A = arith.addf %concatenate3A, %dot_general3A_5 : vector<10000x128xf32>
    %get3A_32 = arith.constant 0 : index
    %get3A_33 = arith.constant 0 : index
    %get3A_34 = vector.load %arg6[%get3A_32, %get3A_33] : memref<1x128xf32, #tpu.memory_space<vmem>>, vector<1x128xf32>
    %add3A_35 = vector.broadcast %get3A_34 : vector<1x128xf32> to vector<10000x128xf32>
    %add3A_36 = arith.addf %add3A, %add3A_35 : vector<10000x128xf32>
    %reduce_sum3A = arith.constant dense<0.000000e+00> : vector<128xf32>
    %reduce_sum3A_37 = vector.multi_reduction <add>, %add3A_36, %reduce_sum3A [0] : vector<10000x128xf32> to vector<128xf32>
    %broadcast_in_dim3A_38 = vector.shape_cast %reduce_sum3A_37 : vector<128xf32> to vector<1x128xf32>
    %div3A_39 = arith.constant 1.000000e+04 : f32
    %div3A_40 = vector.broadcast %div3A_39 : f32 to vector<1x128xf32>
    %div3A_41 = arith.divf %broadcast_in_dim3A_38, %div3A_40 : vector<1x128xf32>
    %sub3A = vector.broadcast %div3A_41 : vector<1x128xf32> to vector<10000x128xf32>
    %sub3A_42 = arith.subf %add3A_36, %sub3A : vector<10000x128xf32>
    %square3A = arith.mulf %sub3A_42, %sub3A_42 : vector<10000x128xf32>
    %reduce_sum3A_43 = arith.constant dense<0.000000e+00> : vector<128xf32>
    %reduce_sum3A_44 = vector.multi_reduction <add>, %square3A, %reduce_sum3A_43 [0] : vector<10000x128xf32> to vector<128xf32>
    %broadcast_in_dim3A_45 = vector.shape_cast %reduce_sum3A_44 : vector<128xf32> to vector<1x128xf32>
    %div3A_46 = arith.constant 1.000000e+04 : f32
    %div3A_47 = vector.broadcast %div3A_46 : f32 to vector<1x128xf32>
    %div3A_48 = arith.divf %broadcast_in_dim3A_45, %div3A_47 : vector<1x128xf32>
    %sub3A_49 = vector.broadcast %div3A_41 : vector<1x128xf32> to vector<10000x128xf32>
    %sub3A_50 = arith.subf %add3A_36, %sub3A_49 : vector<10000x128xf32>
    %add3A_51 = arith.constant 9.99999974E-6 : f32
    %add3A_52 = vector.broadcast %add3A_51 : f32 to vector<1x128xf32>
    %add3A_53 = arith.addf %div3A_48, %add3A_52 : vector<1x128xf32>
    %rsqrt3A = math.rsqrt %add3A_53 : vector<1x128xf32>
    %mul3A = vector.broadcast %rsqrt3A : vector<1x128xf32> to vector<10000x128xf32>
    %mul3A_54 = arith.mulf %sub3A_50, %mul3A : vector<10000x128xf32>
    %get3A_55 = arith.constant 0 : index
    %get3A_56 = arith.constant 0 : index
    %get3A_57 = vector.load %arg7[%get3A_55, %get3A_56] : memref<1x128xf32, #tpu.memory_space<vmem>>, vector<1x128xf32>
    %mul3A_58 = vector.broadcast %get3A_57 : vector<1x128xf32> to vector<10000x128xf32>
    %mul3A_59 = arith.mulf %mul3A_54, %mul3A_58 : vector<10000x128xf32>
    %get3A_60 = arith.constant 0 : index
    %get3A_61 = arith.constant 0 : index
    %get3A_62 = vector.load %arg8[%get3A_60, %get3A_61] : memref<1x128xf32, #tpu.memory_space<vmem>>, vector<1x128xf32>
    %add3A_63 = vector.broadcast %get3A_62 : vector<1x128xf32> to vector<10000x128xf32>
    %add3A_64 = arith.addf %mul3A_59, %add3A_63 : vector<10000x128xf32>
    %max3A_65 = arith.constant 0.000000e+00 : f32
    %max3A_66 = vector.broadcast %max3A_65 : f32 to vector<10000x128xf32>
    %max3A_67 = arith.maximumf %add3A_64, %max3A_66 : vector<10000x128xf32>
    %swap3A = arith.constant 0 : index
    %swap3A_68 = arith.constant 0 : index
    %swap3A_69 = vector.load %arg9[%swap3A, %swap3A_68] : memref<10000x128xf32, #tpu.memory_space<vmem>>, vector<10000x128xf32>
    tpu.vector_store %arg9[%swap3A, %swap3A_68], %max3A_67 {strides = array<i32>} : memref<10000x128xf32, #tpu.memory_space<vmem>>, vector<10000x128xf32>,
    return
  }
}

</mosaic_0001>

<sc_bundles>
// kernel: kernel.5.cloned.1.call-start
scs
__scs_entry_jumppad:
0x0: {  	(pc) =	sbr.rel $0x88, $3  }
0x1: {  	(tag) =	ssettag $0x0;
	lr =	simm.s32 $0x1  }
0x2: {  	[smem:$0x3F96] =	sst lr;
	_ =	strace $0xD0000000  }
0x3: {  	_ = 	snop  }
0x4: {  	_ = 	snop  }
0x5: {  	_ = 	snop  }
0x6: {  	_ = 	snop  }
0x7: {  	_ = 	snop  }
__scs_overlays_trampoline_lowered:
0x8: {  	[smem:$0x3FA5] =	sst s0  }
0x9: {  	[smem:$0x3FA6] =	sst s1  }
0xa: {  	[smem:$0x3FA7] =	sst s2  }
0xb: {  	[smem:$0x3FA8] =	sst s3  }
0xc: {  	[smem:$0x3FA9] =	sst s4  }
0xd: {  	[smem:$0x3FAA] =	sst s5  }
0xe: {  	[smem:$0x3FAB] =	sst s6  }
0xf: {  	[smem:$0x3FAC] =	sst s7  }
0x10: {  	[smem:$0x3FAD] =	sst s8  }
0x11: {  	[smem:$0x3FAE] =	sst s9;
	s0 =	simm.s32 @!p0 $0x0  }
0x12: {  	s1 =	sld [smem:$0x3F94];
	s0 =	simm.s32 @p0 $0x1  }
0x13: {  	[smem:$0x3FAF] =	sst s0;
	s0 =	simm.s32 @!p1 $0x0  }
0x14: {  	s2 =	sld [smem:$0x3F93];
	s0 =	simm.s32 @p1 $0x1  }
0x15: {  	[smem:$0x3FB0] =	sst s0;
	s0 =	simm.s32 @!p2 $0x0  }
0x16: {  	s3 =	sld [smem:$0x3FDB];
	s0 =	simm.s32 @p2 $0x1  }
0x17: {  	s4 =	simm.s32 $0x1BF5;
	[smem:$0x3FB2] =	sst s0  }
0x18: {  	s0 =	sld [smem:$0x3F95];
	_ =	swait.ge [sflag:s4], $0x0  }
0x19: {  	s7 =	sld [smem:$0x3F96]  }
0x1a: {  	s8 =	sadd.s32 $0xFFFFE003, lr  }
0x1b: {  	s9 =	sadd.s32 $0xFFFFFEF7, lr;
	s5 =	simm.s32 $0xFFFFFFFF;
	p2 =	slt.u32 s8, $0xFFFFF086  }
0x1c: {  	p1 =	slt.u32 s9, $0xF7A;
	s5 =	simm.s32 @!p2 $0x0  }
0x1d: {  	s5 =	simm.s32 @p1 $0x1;
	p0 =	seq.s32 s7, s2  }
0x1e: {  	s7 =	smul.u32 @!p0 $0xF7A, s2;
	p2 =	seq.s32 @!p0 s5, $0x0  }
0x1f: {  	s9 =	smul.u32 $0xF7A, s1;
	s8 =	simm.s32 @!p0 $0x1BF5;
	p2 =	por !p2, p0  }
0x20: {  	[sflag:s8] =	ssyncset.s32 @!p0 $0xFFFFF086;
	s6 =	sadd.s32 @!p0 s3, s7;
	s7 =	simm.s32 @!p0 $0x108  }
0x21: {  	s3 =	sadd.s32 s3, s9;
	s6 =	sadd.s32 @!p0 $0x88, s6;
	s7 =	simm.s32 @p2 $0x1082  }
0x22: {  	[simem:s7], [sflag:s8] =	dma.local @!p0 [hbm:s6], $0xF7A  }
0x23: {  	s9 =	sor.u32 $0xD0000000, s2;
	s6 =	simm.s32 $0x108;
	_ =	swait.ge @!p0 [sflag:s8], $0x0  }
0x24: {  	s3 =	sadd.s32 $0x88, s3;
	s6 =	simm.s32 @!p1 $0x1082;
	[sflag:s4] =	ssyncset.s32 $0xFFFFF086  }
0x25: {  	[simem:s6], [sflag:s4] =	dma.local [hbm:s3], $0xF7A  }
0x26: {  	[smem:$0x3F96] =	sst s1;
	(tag) =	ssettag s2;
	_ =	strace s9  }
0x27: {  	s1 =	sld [smem:$0x3FA6]  }
0x28: {  	s2 =	sld [smem:$0x3FA7]  }
0x29: {  	s4 =	sld [smem:$0x3FA9]  }
0x2a: {  	p0 =	seq.s32 s5, $0x0;
	s5 =	sld [smem:$0x3FAA]  }
0x2b: {  	s6 =	sld [smem:$0x3FAB]  }
0x2c: {  	s7 =	sld [smem:$0x3FAC]  }
0x2d: {  	s3 =	simm.s32 $0x108;
	s8 =	sld [smem:$0x3FAD]  }
0x2e: {  	s3 =	simm.s32 @!p0 $0x1082;
	s9 =	sld [smem:$0x3FAE]  }
0x2f: {  	lr =	sadd.s32 s0, s3;
	s0 =	sld [smem:$0x3FA5]  }
0x30: {  	s3 =	sld [smem:$0x3FA8]  }
0x31: {  	[smem:$0x3FB1] =	sst s10  }
0x32: {  	s10 =	sld [smem:$0x3FAF];
	_ =	sdelay $0x3  }
0x33: {  	p0 =	seq.s32 s10, $0x1;
	s10 =	sld [smem:$0x3FB1];
	_ =	sdelay $0x3  }
0x34: {  	[smem:$0x3FB1] =	sst s10  }
0x35: {  	s10 =	sld [smem:$0x3FB0];
	_ =	sdelay $0x3  }
0x36: {  	p1 =	seq.s32 s10, $0x1;
	s10 =	sld [smem:$0x3FB1];
	_ =	sdelay $0x3  }
0x37: {  	[smem:$0x3FB1] =	sst s10  }
0x38: {  	s10 =	sld [smem:$0x3FB2]  }
0x39: {  	_ = 	snop;
	(pc) =	sbr.ind lr, $3  }
0x3a: {  	_ = 	snop  }
0x3b: {  	_ = 	snop  }
0x3c: {  	p2 =	seq.s32 s10, $0x1;
	s10 =	sld [smem:$0x3FB1]  }
0x3d: {  	_ =	shalt  }
0x3e: {  	_ =	shalt  }
0x3f: {  	_ =	shalt  }
0x40: {  	_ =	shalt  }
0x41: {  	_ =	shalt  }
0x42: {  	_ =	shalt  }
0x43: {  	_ =	shalt  }
0x44: {  	_ =	shalt  }
0x45: {  	_ =	shalt  }
0x46: {  	_ =	shalt  }
0x47: {  	_ =	shalt  }
0x48: {  	_ =	shalt  }
0x49: {  	_ =	shalt  }
0x4a: {  	_ =	shalt  }
0x4b: {  	_ =	shalt  }
0x4c: {  	_ =	shalt  }
0x4d: {  	_ =	shalt  }
0x4e: {  	_ =	shalt  }
0x4f: {  	_ =	shalt  }
0x50: {  	_ =	shalt  }
0x51: {  	_ =	shalt  }
0x52: {  	_ =	shalt  }
0x53: {  	_ =	shalt  }
0x54: {  	_ =	shalt  }
0x55: {  	_ =	shalt  }
0x56: {  	_ =	shalt  }
0x57: {  	_ =	shalt  }
0x58: {  	_ =	shalt  }
0x59: {  	_ =	shalt  }
0x5a: {  	_ =	shalt  }
0x5b: {  	_ =	shalt  }
0x5c: {  	_ =	shalt  }
0x5d: {  	_ =	shalt  }
0x5e: {  	_ =	shalt  }
0x5f: {  	_ =	shalt  }
0x60: {  	_ =	shalt  }
0x61: {  	_ =	shalt  }
0x62: {  	_ =	shalt  }
0x63: {  	_ =	shalt  }
0x64: {  	_ =	shalt  }
0x65: {  	_ =	shalt  }
0x66: {  	_ =	shalt  }
0x67: {  	_ =	shalt  }
0x68: {  	_ =	shalt  }
0x69: {  	_ =	shalt  }
0x6a: {  	_ =	shalt  }
0x6b: {  	_ =	shalt  }
0x6c: {  	_ =	shalt  }
0x6d: {  	_ =	shalt  }
0x6e: {  	_ =	shalt  }
0x6f: {  	_ =	shalt  }
0x70: {  	_ =	shalt  }
0x71: {  	_ =	shalt  }
0x72: {  	_ =	shalt  }
0x73: {  	_ =	shalt  }
0x74: {  	_ =	shalt  }
0x75: {  	_ =	shalt  }
0x76: {  	_ =	shalt  }
0x77: {  	_ =	shalt  }
0x78: {  	_ =	shalt  }
0x79: {  	_ =	shalt  }
0x7a: {  	_ =	shalt  }
0x7b: {  	_ =	shalt  }
0x7c: {  	_ =	shalt  }
0x7d: {  	_ =	shalt  }
0x7e: {  	_ =	shalt  }
0x7f: {  	_ =	shalt  }
0x80: {  	_ =	shalt  }
0x81: {  	_ =	shalt  }
0x82: {  	_ =	shalt  }
0x83: {  	_ =	shalt  }
0x84: {  	_ =	shalt  }
0x85: {  	_ =	shalt  }
0x86: {  	_ =	shalt  }
0x87: {  	_ =	shalt  }
.Lfunc_end0:
.L_simem_size_0:
called_computation_lowered:
.L_overlay_start_0:
0x88: {  	s2 =	sld [smem:$0x3FD9]  }
0x89: {  	s3 =	sld [smem:$0x3FFE];
	_ =	sdelay $0x1  }
0x8a: {  	s1 =	srdreg.scid  }
0x8b: {  	s0 =	sand.u32 $0x1, s1  }
0x8c: {  	s17 =	sshll.u32 s0, $0xA;
	s2 =	sadd.s32 s3, s2  }
0x8d: {  	s2 =	sadd.s32 s2, s17  }
0x8e: {  	[smem:$0x3FBD] =	sst s2  }
0x8f: {  	_ = 	snop  }
0x90: {  	s2 =	sld [smem:$0x3FD0];
	(tm) =	ssettm $0x1  }
0x91: {  	s18 =	sld [smem:$0x3FFB];
	_ =	sdelay $0x3  }
0x92: {  	_ =	strace s18  }
0x93: {  	s3 =	sld [smem:$0x3FFC];
	_ =	sdelay $0x3  }
0x94: {  	_ =	strace s3  }
0x95: {  	s3 =	sld [smem:$0x3FFD];
	_ =	sdelay $0x3  }
0x96: {  	_ =	strace s3  }
0x97: {  	_ =	strace $0x8FFFFFFF  }
0x98: {  	s19 =	sld [smem:$0x3FDB];
	_ =	sdelay $0x1  }
0x99: {  	s4 =	simm.s32 $_scs_section_size  }
0x9a: {  	s5 =	simm.s32 $_size__tile_overlayer_lowered;
	s6 =	simm.s32 $_tile_overlayer_lowered  }
0x9b: {  	s22 =	simm.s32 $0x1BFF;
	s21 =	sshll.u32 s6, $0x1;
	s3 =	sadd.s32 s4, s19  }
0x9c: {  	s7 =	simm.s32 $0x0;
	s20 =	sshll.u32 s5, $0x1;
	s5 =	sadd.s32 s21, s3  }
0x9d: {  	[timem:s7], [sflag:s22] =	dma.local [hbm:s5], s20  }
0x9e: {  	_ =	swait.ge [sflag:s22], s20  }
0x9f: {  	s4 =	ssub.s32 $0x0, s20;
	[sflag:s22] =	ssyncset.done $0x0  }
0xa0: {  	[sflag:s22] =	ssyncadd.s32 s4;
	_ =	sdelay $0x1  }
0xa1: {  	s23 =	simm.s32 $0x1B8B  }
0xa2: {  	_ =	swait.ge [sflag:s23], $0x1  }
0xa3: {  	[sflag:s23] =	ssyncset.done $0x0  }
0xa4: {  	s25 =	simm.s32 $0x1B8E;
	s24 =	sld [smem:$0x3FFE];
	[sflag:s23] =	ssyncadd.s32 $0xFFFFFFFF  }
0xa5: {  	s26 =	simm.s32 $execute0_lowered;
	[smem:$0x3FD2] =	sst s25  }
0xa6: {  	s5 =	sshll.u32 s26, $0x1;
	_ =	strace $0x80000046;
	[dreg:$0x1] =	wrdreg $0xFFFFFFFF  }
0xa7: {  	s28 =	simm.s32 $_size_execute0_lowered;
	s3 =	sadd.s32 s3, s5;
	[dreg:$0x0] =	wrdreg $0x0  }
0xa8: {  	s5 =	sshll.u32 s28, $0x1;
	[dreg:$0x2] =	wrdreg s3  }
0xa9: {  	[dreg:$0x3] =	wrdreg s5  }
0xaa: {  	[dreg:$0x4] =	wrdreg $0xC0  }
0xab: {  	_ =	task [dreg:s7], $0x5FFFF  }
0xac: {  	[dreg:$0x1] =	wrdreg $0xFFFFFFFF  }
0xad: {  	[dreg:$0x0] =	wrdreg $0x60  }
0xae: {  	[dreg:$0x2] =	wrdreg s24  }
0xaf: {  	[dreg:$0x3] =	wrdreg s2  }
0xb0: {  	[dreg:$0x4] =	wrdreg $0x10EC00  }
0xb1: {  	[dreg:$0x5] =	wrdreg $0x9  }
0xb2: {  	_ =	task.clear_ibuf [dreg:s7], $0x6FFFF;
	_ =	strace $0x90000046  }
0xb3: {  	s29 =	simm.s32 $0x9;
	_ =	strace $0x80000048  }
0xb4: {  	_ =	swait.ge [sflag:s29], $0x1  }
0xb5: {  	[sflag:s29] =	ssyncadd.s32 $0xFFFFFFFF  }
0xb6: {  	_ =	strace $0x90000048  }
0xb7: {  	_ =	sfence  }
0xb8: {  	s30 =	sld [smem:$0x0];
	_ =	sdelay $0x2  }
0xb9: {  	s31 =	sshll.u32 s1, $0xD;
	s1 =	sshrl.u32 s1, $0x2  }
0xba: {  	s3 =	sand.u32 $0x4000, s31;
	s1 =	sadd.s32 s1, s30  }
0xbb: {  	s0 =	sor.u32 s3, s0;
	s1 =	sshll.u32 s1, $0x11  }
0xbc: {  	s0 =	sor.u32 s1, s0  }
0xbd: {  	s0 =	sadd.s32 $0x8F2B, s0  }
0xbe: {  	[sflag:s0] =	ssyncadd.remote.s32 $0x1  }
0xbf: {  	_ =	sfence.sel $0xFFFF  }
0xc0: {  	[dreg:$0x0] =	wrdreg $0xFFFFFFFF;
	(pc) =	sbr.abs _section_cstart, $3  }
0xc1: {  	[dreg:$0x1] =	wrdreg $0xFFFFFFFF  }
0xc2: {  	_ =	task.clear_ibuf [dreg:s7], $0x2FFFF;
	_ =	strace $0x9FFFFFFF  }
0xc3: {  	(tm) =	ssettm $0x7FFFFFFF  }
tec
execute0_lowered:
.L_overlay_start_1:
0x0: {  	(tag) =	ssettag $0x1  }
0x1: {  	s0 =	rddreg [dreg:$0x0]  }
0x2: {  	s2 =	rddreg [dreg:$0x1]  }
0x3: {  	s1 =	rddreg [dreg:$0x2];
	s3 =	simm.s32 $0x0  }
0x4: {  	s5 =	srdreg.scid;
	s16 =	stileid.u32;
	s19 =	simm.s32 $0x2  }
0x5: {  	s20 =	simm.s32 $0xFA0;
	s21 =	simm.s32 $0x320;
	s28 =	simm.s32 $0x15E0  }
0x6: {  	s29 =	simm.s32 $0x960;
	s30 =	simm.s32 $0x1900;
	s31 =	simm.s32 $0xC80  }
0x7: {  	[smem:$0x7FF] =	sst s3;
	s3 =	sadd.s32 $0x15C00, s0;
	s4 =	sadd.s32 $0x2200, s0  }
0x8: {  	s6 =	sadd.s32 $0x3D000, s0;
	s7 =	sadd.s32 $0x29600, s0;
	s5 =	sand.u32 $0x1, s5  }
0x9: {  	s8 =	sadd.s32 $0x50A00, s0;
	s9 =	sadd.s32 $0x64600, s0;
	s10 =	smul.u32 $0x9E00, s16  }
0xa: {  	s11 =	sadd.s32 $0x7D200, s0;
	_ =	strace $0x80000047;
	[dreg:$0x4] =	wrdreg s8  }
0xb: {  	s26 =	sshll.u32 s16, $0x6;
	s15 =	smul.u32 $0x4E20, s16;
	[dreg:$0x5] =	wrdreg s9  }
0xc: {  	s16 =	smul.u32 $0x4F0, s16;
	s22 =	ssub.s32 $0x2, s5;
	[dreg:$0x6] =	wrdreg s11  }
0xd: {  	s11 =	sadd.s32 $0x78200, s0;
	s14 =	sor.u32 $0x1C02, s26;
	p0 =	seq.s32 s5, $0x1  }
.Ltmp0:
0xe: {  	s26 =	simm.s32 $0x640;
	s0 =	simm.s32 $0x1C20;
	(pc) =	sbr.rel .LBB2_1-.Ltmp0, $4  }
0xf: {  	s5 =	simm.s32 $0x0;
	s23 =	sshrl.u32 s22, $0x1;
	s12 =	sshrl.u32 s10, $0x3  }
0x10: {  	s25 =	sadd.s32 s10, s1;
	s24 =	ssub.s32 s22, s23;
	s13 =	sadd.s32 s2, s12  }
0x11: {  	s18 =	sshrl.u32 s25, $0x3;
	s22 =	simm.s32 $0x1F40;
	s23 =	simm.s32 $0xE740  }
0x12: {  	v0 =	vimm.f32 $0.0e+00;
	v1 =	vimm.f32 $1.000000000e+00;
	s25 =	simm.s32 $0x12C0;
	s17 =	smax.u32 s24, $0x1;
	s24 =	simm.s32 $0x1  }
.LBB2_28:
0x13: {  	s8 =	sadd.s32 s8, s16;
	s9 =	simm.s32 $0x0  }
0x14: {  	[hbm4b:s8+s9] =	stream.linear.scatter [tilespmem:s23], [sflag:$0x2], $0x2780, $0x38;
	[tilespmem:$0x1ACC0] =	vst v63  }
0x15: {  	_ =	swait.ge [sflag:s19], $0x2780  }
0x16: {  	s5 =	sadd.s32 $0x1, s5;
	[sflag:s19] =	ssyncset.done $0x0  }
0x17: {  	p1 =	sne.s32 s5, s17;
	[sflag:s19] =	ssyncadd.s32 $0xFFFFD880  }
.Ltmp1:
0x18: {  	s2 =	sadd.s32 s2, s12;
	[bflag:$0x0] =	sbarrier.arrive $0xFFFF;
	(pc) =	sbr.rel @!p1 .LBB2_29-.Ltmp1, $4  }
0x19: {  	[hbm:s2], [sflag:s14] =	dma.local [spmem:s18], $0x13C0  }
0x1a: {  	_ =	swait.ge [sflag:s19], $0x13C0  }
0x1b: {  	[sflag:s19] =	ssyncset.done $0x0  }
0x1c: {  	[sflag:s19] =	ssyncadd.s32 $0xFFFFEC40  }
.LBB2_1:
0x1d: {  	[spmem:s18], [sflag:s14] =	dma.local [hbm:s13], $0x13C0  }
0x1e: {  	_ =	swait.ge [sflag:s19], $0x13C0  }
0x1f: {  	[sflag:s19] =	ssyncset.done $0x0  }
0x20: {  	s2 =	simm.s32 $0x40;
	s8 =	simm.s32 $0x0;
	[sflag:s19] =	ssyncadd.s32 $0xFFFFEC40  }
.LBB2_2:
0x21: {  	p1 =	sne.s32 s2, $0x9DC0;
	[tilespmem:s8+$0xE740] =	vst v0;
	s8 =	smov.u32 s2;
	s2 =	sadd.s32 $0x40, s2  }
.Ltmp2:
0x22: {  	(pc) =	sbr.rel @p1 .LBB2_2-.Ltmp2, $2  }
0x23: {  	_ =	sdelay $0x2  }
0x24: {  	s8 =	sshra.s32 s8, $0x2  }
.Ltmp3:
0x25: {  	(pc) =	sbr.rel @!p0 .LBB2_4-.Ltmp3, $4  }
0x26: {  	_ = 	snop  }
0x27: {  	[tilespmem:s8+$0xE740] =	vst v0  }
0x28: {  	[bflag:$0x0] =	sbarrier.arrive $0xFFFF  }
0x29: {  	s2 =	simm.s32 $0x0;
	s8 =	simm.s32 $0x0;
	s9 =	simm.s32 $0x0  }
.LBB2_16:
0x2a: {  	s8 =	smul.u32 $0xFA0, s9;
	_ =	sdelay $0x1  }
0x2b: {  	s8 =	sadd.s32 s15, s8  }
0x2c: {  	s8 =	sshrl.u32 s8, $0x3  }
0x2d: {  	s8 =	sadd.s32 s7, s8  }
0x2e: {  	[tilespmem:s2], [sflag:$0x2] =	stream.linear.gather [hbm4b:s8+s2], $0xFA0, $0x38;
	[tilespmem:$0x1ACC0] =	vst v63  }
0x2f: {  	_ =	swait.ge [sflag:s19], $0xFA0  }
0x30: {  	[sflag:s19] =	ssyncset.done $0x0  }
0x31: {  	s8 =	sadd.s32 $0x9C40, s8;
	[sflag:s19] =	ssyncadd.s32 $0xFFFFF060  }
0x32: {  	[tilespmem:s20], [sflag:$0x2] =	stream.linear.gather [hbm4b:s8+s2], $0xFA0, $0x38;
	[tilespmem:$0x1ACC0] =	vst v63  }
0x33: {  	_ =	swait.ge [sflag:s19], $0xFA0  }
0x34: {  	[sflag:s19] =	ssyncset.done $0x0  }
0x35: {  	s10 =	simm.s32 $0x0;
	s8 =	simm.s32 $0x40;
	[sflag:s19] =	ssyncadd.s32 $0xFFFFF060  }
0x36: {  	[tilespmem:s22], [sflag:$0x1] =	stream.indirect.gather [hbm4b:s4+s21], $0x40, s2, s21, $0xb8;
	[tilespmem:$0x1ACC0] =	vst v63  }
.LBB2_17:
0x37: {  	p1 =	sne.s32 s8, $0xC40;
	v2 =	vld [tilespmem:s10+$0xFA0];
	_ =	sdelay $0x3  }
.Ltmp4:
0x38: {  	(pc) =	sbr.rel @p1 .LBB2_17-.Ltmp4, $2  }
0x39: {  	_ =	sdelay $0x2  }
0x3a: {  	s10 =	sshra.s32 s8, $0x2;
	s8 =	sadd.s32 $0x40, s8;
	[tilespmem:v2+s23+$0x0] =	vst.idx.add.f32.msk $0xffff, v1  }
0x3b: {  	v2 =	vld [tilespmem:s10+$0xFA0];
	_ =	sdelay $0x7  }
0x3c: {  	[tilespmem:v2+s23+$0x0] =	vst.idx.add.f32.msk $0xffff, v1  }
0x3d: {  	_ =	swait.ge [sflag:s24], $0xC800  }
0x3e: {  	[sflag:s24] =	ssyncset.done $0x0  }
0x3f: {  	[sflag:s24] =	ssyncadd.s32 $0xFFFF3800  }
0x40: {  	[spmem:s1] =	stream.indirect.scatter.add.f32 [tilespmem:s22], [sflag:$0x2], $0x40, s20, s21, $0xb8;
	[tilespmem:$0x1ACC0] =	vst v63  }
0x41: {  	_ =	swait.ge [sflag:s19], $0xC800  }
0x42: {  	[sflag:s19] =	ssyncset.done $0x0  }
0x43: {  	s10 =	simm.s32 $0x0;
	s8 =	simm.s32 $0x40;
	[sflag:s19] =	ssyncadd.s32 $0xFFFF3800  }
0x44: {  	[tilespmem:s22], [sflag:$0x1] =	stream.indirect.gather [hbm4b:s4+s21], $0x40, s21, s21, $0xb8;
	[tilespmem:$0x1ACC0] =	vst v63  }
.LBB2_19:
0x45: {  	p1 =	sne.s32 s8, $0xC40;
	v2 =	vld [tilespmem:s10+$0x12C0];
	_ =	sdelay $0x3  }
.Ltmp5:
0x46: {  	(pc) =	sbr.rel @p1 .LBB2_19-.Ltmp5, $2  }
0x47: {  	_ =	sdelay $0x2  }
0x48: {  	s10 =	sshra.s32 s8, $0x2;
	s8 =	sadd.s32 $0x40, s8;
	[tilespmem:v2+s23+$0x0] =	vst.idx.add.f32.msk $0xffff, v1  }
0x49: {  	v2 =	vld [tilespmem:s10+$0x12C0];
	_ =	sdelay $0x7  }
0x4a: {  	[tilespmem:v2+s23+$0x0] =	vst.idx.add.f32.msk $0xffff, v1  }
0x4b: {  	_ =	swait.ge [sflag:s24], $0xC800  }
0x4c: {  	[sflag:s24] =	ssyncset.done $0x0  }
0x4d: {  	[sflag:s24] =	ssyncadd.s32 $0xFFFF3800  }
0x4e: {  	[spmem:s1] =	stream.indirect.scatter.add.f32 [tilespmem:s22], [sflag:$0x2], $0x40, s25, s21, $0xb8;
	[tilespmem:$0x1ACC0] =	vst v63  }
0x4f: {  	_ =	swait.ge [sflag:s19], $0xC800  }
0x50: {  	[sflag:s19] =	ssyncset.done $0x0  }
0x51: {  	s10 =	simm.s32 $0x0;
	s8 =	simm.s32 $0x40;
	[sflag:s19] =	ssyncadd.s32 $0xFFFF3800  }
0x52: {  	[tilespmem:s22], [sflag:$0x1] =	stream.indirect.gather [hbm4b:s4+s21], $0x40, s26, s21, $0xb8;
	[tilespmem:$0x1ACC0] =	vst v63  }
.LBB2_21:
0x53: {  	p1 =	sne.s32 s8, $0xC40;
	v2 =	vld [tilespmem:s10+$0x15E0];
	_ =	sdelay $0x3  }
.Ltmp6:
0x54: {  	(pc) =	sbr.rel @p1 .LBB2_21-.Ltmp6, $2  }
0x55: {  	_ =	sdelay $0x2  }
0x56: {  	s10 =	sshra.s32 s8, $0x2;
	s8 =	sadd.s32 $0x40, s8;
	[tilespmem:v2+s23+$0x0] =	vst.idx.add.f32.msk $0xffff, v1  }
0x57: {  	v2 =	vld [tilespmem:s10+$0x15E0];
	_ =	sdelay $0x7  }
0x58: {  	[tilespmem:v2+s23+$0x0] =	vst.idx.add.f32.msk $0xffff, v1  }
0x59: {  	_ =	swait.ge [sflag:s24], $0xC800  }
0x5a: {  	[sflag:s24] =	ssyncset.done $0x0  }
0x5b: {  	[sflag:s24] =	ssyncadd.s32 $0xFFFF3800  }
0x5c: {  	[spmem:s1] =	stream.indirect.scatter.add.f32 [tilespmem:s22], [sflag:$0x2], $0x40, s28, s21, $0xb8;
	[tilespmem:$0x1ACC0] =	vst v63  }
0x5d: {  	_ =	swait.ge [sflag:s19], $0xC800  }
0x5e: {  	[sflag:s19] =	ssyncset.done $0x0  }
0x5f: {  	s10 =	simm.s32 $0x0;
	s8 =	simm.s32 $0x40;
	[sflag:s19] =	ssyncadd.s32 $0xFFFF3800  }
0x60: {  	[tilespmem:s22], [sflag:$0x1] =	stream.indirect.gather [hbm4b:s4+s21], $0x40, s29, s21, $0xb8;
	[tilespmem:$0x1ACC0] =	vst v63  }
.LBB2_23:
0x61: {  	p1 =	sne.s32 s8, $0xC40;
	v2 =	vld [tilespmem:s10+$0x1900];
	_ =	sdelay $0x3  }
.Ltmp7:
0x62: {  	(pc) =	sbr.rel @p1 .LBB2_23-.Ltmp7, $2  }
0x63: {  	_ =	sdelay $0x2  }
0x64: {  	s10 =	sshra.s32 s8, $0x2;
	s8 =	sadd.s32 $0x40, s8;
	[tilespmem:v2+s23+$0x0] =	vst.idx.add.f32.msk $0xffff, v1  }
0x65: {  	v2 =	vld [tilespmem:s10+$0x1900];
	_ =	sdelay $0x7  }
0x66: {  	[tilespmem:v2+s23+$0x0] =	vst.idx.add.f32.msk $0xffff, v1  }
0x67: {  	_ =	swait.ge [sflag:s24], $0xC800  }
0x68: {  	[sflag:s24] =	ssyncset.done $0x0  }
0x69: {  	[sflag:s24] =	ssyncadd.s32 $0xFFFF3800  }
0x6a: {  	[spmem:s1] =	stream.indirect.scatter.add.f32 [tilespmem:s22], [sflag:$0x2], $0x40, s30, s21, $0xb8;
	[tilespmem:$0x1ACC0] =	vst v63  }
0x6b: {  	_ =	swait.ge [sflag:s19], $0xC800  }
0x6c: {  	[sflag:s19] =	ssyncset.done $0x0  }
0x6d: {  	s10 =	simm.s32 $0x0;
	s8 =	simm.s32 $0x40;
	[sflag:s19] =	ssyncadd.s32 $0xFFFF3800  }
0x6e: {  	[tilespmem:s22], [sflag:$0x1] =	stream.indirect.gather [hbm4b:s4+s21], $0x40, s31, s21, $0xb8;
	[tilespmem:$0x1ACC0] =	vst v63  }
.LBB2_25:
0x6f: {  	p1 =	sne.s32 s8, $0xC40;
	v2 =	vld [tilespmem:s10+$0x1C20];
	_ =	sdelay $0x3  }
.Ltmp8:
0x70: {  	(pc) =	sbr.rel @p1 .LBB2_25-.Ltmp8, $2  }
0x71: {  	_ =	sdelay $0x2  }
0x72: {  	s10 =	sshra.s32 s8, $0x2;
	s8 =	sadd.s32 $0x40, s8;
	[tilespmem:v2+s23+$0x0] =	vst.idx.add.f32.msk $0xffff, v1  }
0x73: {  	v2 =	vld [tilespmem:s10+$0x1C20];
	_ =	sdelay $0x7  }
0x74: {  	[tilespmem:v2+s23+$0x0] =	vst.idx.add.f32.msk $0xffff, v1  }
0x75: {  	s9 =	sadd.s32 $0x1, s9;
	_ =	swait.ge [sflag:s24], $0xC800  }
0x76: {  	p1 =	sne.s32 s9, $0x5;
	[sflag:s24] =	ssyncset.done $0x0  }
.Ltmp9:
0x77: {  	[sflag:s24] =	ssyncadd.s32 $0xFFFF3800;
	(pc) =	sbr.rel @p1 .LBB2_16-.Ltmp9, $4  }
0x78: {  	[spmem:s1] =	stream.indirect.scatter.add.f32 [tilespmem:s22], [sflag:$0x2], $0x40, s0, s21, $0xb8;
	[tilespmem:$0x1ACC0] =	vst v63  }
0x79: {  	_ =	swait.ge [sflag:s19], $0xC800  }
0x7a: {  	[sflag:s19] =	ssyncset.done $0x0  }
0x7b: {  	[sflag:s19] =	ssyncadd.s32 $0xFFFF3800  }
.Ltmp10:
0x7c: {  	(pc) =	sbr.rel .LBB2_28-.Ltmp10, $2  }
0x7d: {  	_ =	sdelay $0x2  }
0x7e: {  	s8 =	smov.u32 s11;
	s2 =	rddreg [dreg:$0x5]  }
.LBB2_4:
0x7f: {  	s9 =	smul.u32 $0xFA0, s8;
	_ =	sdelay $0x1  }
0x80: {  	s9 =	sadd.s32 s15, s9  }
0x81: {  	s9 =	sshrl.u32 s9, $0x3  }
0x82: {  	s9 =	sadd.s32 s6, s9  }
0x83: {  	[tilespmem:s2], [sflag:$0x2] =	stream.linear.gather [hbm4b:s9+s2], $0xFA0, $0x38;
	[tilespmem:$0x1ACC0] =	vst v63  }
0x84: {  	_ =	swait.ge [sflag:s19], $0xFA0  }
0x85: {  	[sflag:s19] =	ssyncset.done $0x0  }
0x86: {  	s9 =	sadd.s32 $0x9C40, s9;
	[sflag:s19] =	ssyncadd.s32 $0xFFFFF060  }
0x87: {  	[tilespmem:s20], [sflag:$0x2] =	stream.linear.gather [hbm4b:s9+s2], $0xFA0, $0x38;
	[tilespmem:$0x1ACC0] =	vst v63  }
0x88: {  	_ =	swait.ge [sflag:s19], $0xFA0  }
0x89: {  	[sflag:s19] =	ssyncset.done $0x0  }
0x8a: {  	s10 =	simm.s32 $0x0;
	s9 =	simm.s32 $0x40;
	[sflag:s19] =	ssyncadd.s32 $0xFFFFF060  }
0x8b: {  	[tilespmem:s22], [sflag:$0x1] =	stream.indirect.gather [hbm4b:s3+s21], $0x40, s2, s21, $0xb8;
	[tilespmem:$0x1ACC0] =	vst v63  }
.LBB2_5:
0x8c: {  	p1 =	sne.s32 s9, $0xC40;
	v2 =	vld [tilespmem:s10+$0xFA0];
	_ =	sdelay $0x3  }
.Ltmp11:
0x8d: {  	(pc) =	sbr.rel @p1 .LBB2_5-.Ltmp11, $2  }
0x8e: {  	_ =	sdelay $0x2  }
0x8f: {  	s10 =	sshra.s32 s9, $0x2;
	s9 =	sadd.s32 $0x40, s9;
	[tilespmem:v2+s23+$0x0] =	vst.idx.add.f32.msk $0xffff, v1  }
0x90: {  	v2 =	vld [tilespmem:s10+$0xFA0];
	_ =	sdelay $0x7  }
0x91: {  	[tilespmem:v2+s23+$0x0] =	vst.idx.add.f32.msk $0xffff, v1  }
0x92: {  	_ =	swait.ge [sflag:s24], $0xC800  }
0x93: {  	[sflag:s24] =	ssyncset.done $0x0  }
0x94: {  	[sflag:s24] =	ssyncadd.s32 $0xFFFF3800  }
0x95: {  	[spmem:s1] =	stream.indirect.scatter.add.f32 [tilespmem:s22], [sflag:$0x2], $0x40, s20, s21, $0xb8;
	[tilespmem:$0x1ACC0] =	vst v63  }
0x96: {  	_ =	swait.ge [sflag:s19], $0xC800  }
0x97: {  	[sflag:s19] =	ssyncset.done $0x0  }
0x98: {  	s10 =	simm.s32 $0x0;
	s9 =	simm.s32 $0x40;
	[sflag:s19] =	ssyncadd.s32 $0xFFFF3800  }
0x99: {  	[tilespmem:s22], [sflag:$0x1] =	stream.indirect.gather [hbm4b:s3+s21], $0x40, s21, s21, $0xb8;
	[tilespmem:$0x1ACC0] =	vst v63  }
.LBB2_7:
0x9a: {  	p1 =	sne.s32 s9, $0xC40;
	v2 =	vld [tilespmem:s10+$0x12C0];
	_ =	sdelay $0x3  }
.Ltmp12:
0x9b: {  	(pc) =	sbr.rel @p1 .LBB2_7-.Ltmp12, $2  }
0x9c: {  	_ =	sdelay $0x2  }
0x9d: {  	s10 =	sshra.s32 s9, $0x2;
	s9 =	sadd.s32 $0x40, s9;
	[tilespmem:v2+s23+$0x0] =	vst.idx.add.f32.msk $0xffff, v1  }
0x9e: {  	v2 =	vld [tilespmem:s10+$0x12C0];
	_ =	sdelay $0x7  }
0x9f: {  	[tilespmem:v2+s23+$0x0] =	vst.idx.add.f32.msk $0xffff, v1  }
0xa0: {  	_ =	swait.ge [sflag:s24], $0xC800  }
0xa1: {  	[sflag:s24] =	ssyncset.done $0x0  }
0xa2: {  	[sflag:s24] =	ssyncadd.s32 $0xFFFF3800  }
0xa3: {  	[spmem:s1] =	stream.indirect.scatter.add.f32 [tilespmem:s22], [sflag:$0x2], $0x40, s25, s21, $0xb8;
	[tilespmem:$0x1ACC0] =	vst v63  }
0xa4: {  	_ =	swait.ge [sflag:s19], $0xC800  }
0xa5: {  	[sflag:s19] =	ssyncset.done $0x0  }
0xa6: {  	s10 =	simm.s32 $0x0;
	s9 =	simm.s32 $0x40;
	[sflag:s19] =	ssyncadd.s32 $0xFFFF3800  }
0xa7: {  	[tilespmem:s22], [sflag:$0x1] =	stream.indirect.gather [hbm4b:s3+s21], $0x40, s26, s21, $0xb8;
	[tilespmem:$0x1ACC0] =	vst v63  }
.LBB2_9:
0xa8: {  	p1 =	sne.s32 s9, $0xC40;
	v2 =	vld [tilespmem:s10+$0x15E0];
	_ =	sdelay $0x3  }
.Ltmp13:
0xa9: {  	(pc) =	sbr.rel @p1 .LBB2_9-.Ltmp13, $2  }
0xaa: {  	_ =	sdelay $0x2  }
0xab: {  	s10 =	sshra.s32 s9, $0x2;
	s9 =	sadd.s32 $0x40, s9;
	[tilespmem:v2+s23+$0x0] =	vst.idx.add.f32.msk $0xffff, v1  }
0xac: {  	v2 =	vld [tilespmem:s10+$0x15E0];
	_ =	sdelay $0x7  }
0xad: {  	[tilespmem:v2+s23+$0x0] =	vst.idx.add.f32.msk $0xffff, v1  }
0xae: {  	_ =	swait.ge [sflag:s24], $0xC800  }
0xaf: {  	[sflag:s24] =	ssyncset.done $0x0  }
0xb0: {  	[sflag:s24] =	ssyncadd.s32 $0xFFFF3800  }
0xb1: {  	[spmem:s1] =	stream.indirect.scatter.add.f32 [tilespmem:s22], [sflag:$0x2], $0x40, s28, s21, $0xb8;
	[tilespmem:$0x1ACC0] =	vst v63  }
0xb2: {  	_ =	swait.ge [sflag:s19], $0xC800  }
0xb3: {  	[sflag:s19] =	ssyncset.done $0x0  }
0xb4: {  	s10 =	simm.s32 $0x0;
	s9 =	simm.s32 $0x40;
	[sflag:s19] =	ssyncadd.s32 $0xFFFF3800  }
0xb5: {  	[tilespmem:s22], [sflag:$0x1] =	stream.indirect.gather [hbm4b:s3+s21], $0x40, s29, s21, $0xb8;
	[tilespmem:$0x1ACC0] =	vst v63  }
.LBB2_11:
0xb6: {  	p1 =	sne.s32 s9, $0xC40;
	v2 =	vld [tilespmem:s10+$0x1900];
	_ =	sdelay $0x3  }
.Ltmp14:
0xb7: {  	(pc) =	sbr.rel @p1 .LBB2_11-.Ltmp14, $2  }
0xb8: {  	_ =	sdelay $0x2  }
0xb9: {  	s10 =	sshra.s32 s9, $0x2;
	s9 =	sadd.s32 $0x40, s9;
	[tilespmem:v2+s23+$0x0] =	vst.idx.add.f32.msk $0xffff, v1  }
0xba: {  	v2 =	vld [tilespmem:s10+$0x1900];
	_ =	sdelay $0x7  }
0xbb: {  	[tilespmem:v2+s23+$0x0] =	vst.idx.add.f32.msk $0xffff, v1  }
0xbc: {  	_ =	swait.ge [sflag:s24], $0xC800  }
0xbd: {  	[sflag:s24] =	ssyncset.done $0x0  }
0xbe: {  	[sflag:s24] =	ssyncadd.s32 $0xFFFF3800  }
0xbf: {  	[spmem:s1] =	stream.indirect.scatter.add.f32 [tilespmem:s22], [sflag:$0x2], $0x40, s30, s21, $0xb8;
	[tilespmem:$0x1ACC0] =	vst v63  }
0xc0: {  	_ =	swait.ge [sflag:s19], $0xC800  }
0xc1: {  	[sflag:s19] =	ssyncset.done $0x0  }
0xc2: {  	s10 =	simm.s32 $0x0;
	s9 =	simm.s32 $0x40;
	[sflag:s19] =	ssyncadd.s32 $0xFFFF3800  }
0xc3: {  	[tilespmem:s22], [sflag:$0x1] =	stream.indirect.gather [hbm4b:s3+s21], $0x40, s31, s21, $0xb8;
	[tilespmem:$0x1ACC0] =	vst v63  }
.LBB2_13:
0xc4: {  	p1 =	sne.s32 s9, $0xC40;
	v2 =	vld [tilespmem:s10+$0x1C20];
	_ =	sdelay $0x3  }
.Ltmp15:
0xc5: {  	(pc) =	sbr.rel @p1 .LBB2_13-.Ltmp15, $2  }
0xc6: {  	_ =	sdelay $0x2  }
0xc7: {  	s10 =	sshra.s32 s9, $0x2;
	s9 =	sadd.s32 $0x40, s9;
	[tilespmem:v2+s23+$0x0] =	vst.idx.add.f32.msk $0xffff, v1  }
0xc8: {  	v2 =	vld [tilespmem:s10+$0x1C20];
	_ =	sdelay $0x7  }
0xc9: {  	[tilespmem:v2+s23+$0x0] =	vst.idx.add.f32.msk $0xffff, v1  }
0xca: {  	s8 =	sadd.s32 $0x1, s8;
	_ =	swait.ge [sflag:s24], $0xC800  }
0xcb: {  	p1 =	seq.s32 s8, $0x5;
	[sflag:s24] =	ssyncset.done $0x0  }
.Ltmp16:
0xcc: {  	[sflag:s24] =	ssyncadd.s32 $0xFFFF3800;
	(pc) =	sbr.rel @!p1 .LBB2_4-.Ltmp16, $4  }
0xcd: {  	[spmem:s1] =	stream.indirect.scatter.add.f32 [tilespmem:s22], [sflag:$0x2], $0x40, s0, s21, $0xb8;
	[tilespmem:$0x1ACC0] =	vst v63  }
0xce: {  	_ =	swait.ge [sflag:s19], $0xC800  }
0xcf: {  	[sflag:s19] =	ssyncset.done $0x0  }
0xd0: {  	[sflag:s19] =	ssyncadd.s32 $0xFFFF3800  }
.Ltmp17:
0xd1: {  	(pc) =	sbr.rel .LBB2_28-.Ltmp17, $3  }
0xd2: {  	_ =	sdelay $0x1  }
0xd3: {  	s8 =	rddreg [dreg:$0x6]  }
0xd4: {  	s2 =	rddreg [dreg:$0x4]  }
.LBB2_29:
0xd5: {  	_ =	sfence.sel $0x180000  }
0xd6: {  	[bflag:$0x0] =	sbarrier.arrive $0xFFFF  }
0xd7: {  	_ =	strace $0x90000047  }
0xd8: {  	s0 =	stileid.u32;
	[bflag:$0x2] =	sbarrier.arrive $0xFFFF  }
0xd9: {  	p0 =	sne.s32 s0, $0x0;
	s0 =	rddreg [dreg:$0x3]  }
0xda: {  	s0 =	sadd.s32 @!p0 $0x100000, s0  }
0xdb: {  	[sflag:s0] =	ssyncadd.tile.s32 @!p0 $0x1;
	_ =	shalt  }
.Lfunc_end2:
_tile_overlayer_lowered:
.L_overlay_start_2:
0xdc: {  	(tag) =	ssettag $0x2  }
0xdd: {  	s0 =	rddreg [dreg:$0x0];
	s2 =	stileid.u32  }
0xde: {  	s1 =	rddreg [dreg:$0x1];
	p0 =	sne.s32 s2, $0x0  }
0xdf: {  	s3 =	rddreg [dreg:$0x2];
	[bflag:$0x3] =	sbarrier.arrive $0xFFFF;
	s2 =	simm.s32 @!p0 $0x1C02  }
0xe0: {  	[timem:s3], [sflag:s2] =	dma.local @!p0 [hbm:s0], s1  }
0xe1: {  	s0 =	simm.s32 @!p0 $0x2  }
0xe2: {  	_ =	swait.ge @!p0 [sflag:s0], s1  }
0xe3: {  	s1 =	ssub.s32 @!p0 $0x0, s1;
	[sflag:s0] =	ssyncset.done @!p0 $0x0  }
0xe4: {  	[sflag:s0] =	ssyncadd.s32 @!p0 s1  }
0xe5: {  	[bflag:$0x3] =	sbarrier.arrive $0xFFFF  }
0xe6: {  	_ =	shalt  }

</sc_bundles>
